<compile_context>
chip_gen: v7x
topology: tpu7x:2x2x1
jax: 0.10.2.dev20260603
libtpu: 0.0.44.dev20260713+nightly
codegen_flags: <defaults>
</compile_context>

<pallas_src>
import functools

import jax
import jax.numpy as jnp
from jax import lax
from jax.experimental import pallas as pl
from jax.experimental.pallas import tpu as pltpu
from jax.experimental.pallas import tpu_sc as plsc

B = 16384
F = 26
V = 100000
D = 16
DENSE = 13
OUT_W = F * D + DENSE

NC = 2
NS = 16
NW = NC * NS
BPW = B // NW
CHUNK_B = 128
NCHUNK = BPW // CHUNK_B
ROWS = F * CHUNK_B

_mesh = plsc.VectorSubcoreMesh(core_axis_name="c", subcore_axis_name="s")


@functools.partial(
    pl.kernel,
    mesh=_mesh,
    out_type=jax.ShapeDtypeStruct((B, OUT_W), jnp.float32),
    scratch_types=[
        pltpu.VMEM((ROWS,), jnp.int32),
        pltpu.VMEM((ROWS,), jnp.int32),
        pltpu.VMEM((ROWS, D), jnp.float32),
        pltpu.VMEM((ROWS, D), jnp.float32),
        pltpu.VMEM((CHUNK_B, DENSE), jnp.float32),
        pltpu.VMEM((CHUNK_B, DENSE), jnp.float32),
        pltpu.SemaphoreType.DMA,
        pltpu.SemaphoreType.DMA,
    ],
    compiler_params=pltpu.CompilerParams(use_tc_tiling_on_sc=False),
)
def _encode(idx_hbm, table_hbm, dense_hbm, out_hbm, idx0, idx1, rows0, rows1,
            dense0, dense1, gsem, wsem):
    wid = lax.axis_index("s") * NC + lax.axis_index("c")
    idx_v = (idx0, idx1)
    rows_v = (rows0, rows1)
    dense_v = (dense0, dense1)

    def stage(c):
        buf = c % 2
        base_b = wid * BPW + c * CHUNK_B
        pltpu.sync_copy(idx_hbm.at[wid, c], idx_v[buf])
        pltpu.async_copy(table_hbm.at[idx_v[buf]], rows_v[buf], gsem)
        pltpu.sync_copy(dense_hbm.at[pl.ds(base_b, CHUNK_B)], dense_v[buf])

    def emit(c):
        buf = c % 2
        base_b = wid * BPW + c * CHUNK_B
        pltpu.make_async_copy(
            table_hbm.at[idx_v[buf]], rows_v[buf], gsem
        ).wait()

        @pl.loop(0, F)
        def _fire_write(f):
            pltpu.async_copy(
                rows_v[buf].at[pl.ds(f * CHUNK_B, CHUNK_B)],
                out_hbm.at[pl.ds(base_b, CHUNK_B), pl.ds(f * D, D)],
                wsem,
            )

        pltpu.async_copy(
            dense_v[buf],
            out_hbm.at[pl.ds(base_b, CHUNK_B), pl.ds(F * D, DENSE)],
            wsem,
        )

    def drain(c):
        buf = c % 2
        base_b = wid * BPW + c * CHUNK_B

        @pl.loop(0, F)
        def _wait_write(f):
            pltpu.make_async_copy(
                rows_v[buf].at[pl.ds(f * CHUNK_B, CHUNK_B)],
                out_hbm.at[pl.ds(base_b, CHUNK_B), pl.ds(f * D, D)],
                wsem,
            ).wait()

        pltpu.make_async_copy(
            dense_v[buf],
            out_hbm.at[pl.ds(base_b, CHUNK_B), pl.ds(F * D, DENSE)],
            wsem,
        ).wait()

    stage(0)
    for c in range(NCHUNK):
        if c + 1 < NCHUNK:
            if c - 1 >= 0:
                drain(c - 1)
            stage(c + 1)
        emit(c)
    drain(NCHUNK - 2)
    drain(NCHUNK - 1)


def kernel(sparse_indices, dense_x, tables):
    flat_idx = sparse_indices + (jnp.arange(F, dtype=jnp.int32) * V)[None, :]
    flat_idx = (
        flat_idx.reshape(NW, NCHUNK, CHUNK_B, F)
        .transpose(0, 1, 3, 2)
        .reshape(NW, NCHUNK, ROWS)
    )
    table2d = tables.reshape(F * V, D)
    return _encode(flat_idx, table2d, dense_x.astype(jnp.float32))

# --- scband reference (transcript-rebuilt; emitter-appended) ---
"""Pipeline reference for scband-feature-encoder-472446402685 (READ-ONLY COPY).

The authoritative reference and input builder live on the scoring server;
editing this copy changes nothing except your own understanding.
"""

import jax, jax.numpy as jnp
import numpy as np

B = 16384
F = 26
V = 100000
D = 16
DENSE = 13


def setup_inputs(seed: int = 0) -> dict:
    key = jax.random.key(seed)
    k1, k2, k3 = jax.random.split(key, 3)
    sparse_indices = jax.random.randint(k1, (B, F), 0, V, dtype=jnp.int32)
    dense_x = jax.random.normal(k2, (B, DENSE), dtype=jnp.float32)
    # Learned parameters: one embedding table per sparse field, stacked [F, V, D]
    tables = jax.random.normal(k3, (F, V, D), dtype=jnp.float32) * 0.01
    return {"sparse_indices": sparse_indices, "dense_x": dense_x, "tables": tables}


def reference(sparse_indices, dense_x, tables):
    # Per-field embedding lookup: tables[f][sparse_indices[:, f]] -> [B, F, D]
    emb = jax.vmap(lambda t, idx: jnp.take(t, idx, axis=0), in_axes=(0, 1), out_axes=1)(tables, sparse_indices)
    sparse_out = emb.reshape(emb.shape[0], F * D)
    # Concatenate embedded sparse features with passthrough dense features
    return jnp.concatenate([sparse_out, dense_x.astype(jnp.float32)], axis=-1)

if __name__ == "__main__":
    import jax
    _d = setup_inputs()
    print(jax.jit(kernel)(*tuple(_d.values())))

</pallas_src>

<mosaic_0001>
#map = affine_map<(d0, d1) -> (0, 0, 0)>
#map1 = affine_map<(d0, d1) -> (0, 0)>
module attributes {stable_mosaic.version = 14 : i64} {
  func.func @_encode(%arg0: i32, %arg1: i32, %arg2: memref<32x4x3328xi32, #tpu.memory_space<hbm>>, %arg3: memref<2600000x16xf32, #tpu.memory_space<hbm>>, %arg4: memref<16384x13xf32, #tpu.memory_space<hbm>>, %arg5: memref<16384x429xf32, #tpu.memory_space<hbm>>, %arg6: memref<3328xi32, #tpu.memory_space<vmem>>, %arg7: memref<3328xi32, #tpu.memory_space<vmem>>, %arg8: memref<3328x16xf32, #tpu.memory_space<vmem>>, %arg9: memref<3328x16xf32, #tpu.memory_space<vmem>>, %arg10: memref<128x13xf32, #tpu.memory_space<vmem>>, %arg11: memref<128x13xf32, #tpu.memory_space<vmem>>, %arg12: memref<!tpu.dma_semaphore, #tpu.memory_space<semaphore_mem>>, %arg13: memref<!tpu.dma_semaphore, #tpu.memory_space<semaphore_mem>>) attributes {dimension_semantics = [#tpu.dimension_semantics<core_parallel>, #tpu.dimension_semantics<subcore_parallel>], iteration_bounds = array<i64: 2, 16>, scalar_prefetch = 0 : i64, scratch_operands = 8 : i64, tpu.core_type = #tpu.core_type<sc_vector_subcore>, window_params = [{transform_indices = #map}, {transform_indices = #map1}, {transform_indices = #map1}, {transform_indices = #map1}]} {
    %mul3A = arith.constant 2 : i32
    %mul3A_0 = arith.muli %arg1, %mul3A : i32
    %add3A = arith.addi %mul3A_0, %arg0 : i32
    %mul3A_1 = arith.constant 512 : i32
    %mul3A_2 = arith.muli %add3A, %mul3A_1 : i32
    %add3A_3 = arith.constant 0 : i32
    %add3A_4 = arith.addi %mul3A_2, %add3A_3 : i32
    %run_scoped3A = arith.constant 0 : i32
    "tpu.region"() ({
      %run_scoped3A_145 = tpu.sem_alloc : memref<!tpu.dma_semaphore, #tpu.memory_space<semaphore_mem>>
      %dma_start3A_146 = arith.constant 0 : i32
      %dma_start3A_147 = tpu.memref_slice %arg2[%add3A, %run_scoped3A, %dma_start3A_146] : memref<32x4x3328xi32, #tpu.memory_space<hbm>> -> memref<1x1x3328xi32, #tpu.memory_space<hbm>>
      %dma_start3A_148 = tpu.memref_squeeze %dma_start3A_147 : memref<1x1x3328xi32, #tpu.memory_space<hbm>> -> memref<3328xi32, #tpu.memory_space<hbm>>
      %dma_start3A_149 = arith.constant 0 : i32
      %dma_start3A_150 = tpu.memref_slice %arg2[%add3A, %run_scoped3A, %dma_start3A_149] : memref<32x4x3328xi32, #tpu.memory_space<hbm>> -> memref<1x1x3328xi32, #tpu.memory_space<hbm>>
      %dma_start3A_151 = tpu.memref_squeeze %dma_start3A_150 : memref<1x1x3328xi32, #tpu.memory_space<hbm>> -> memref<3328xi32, #tpu.memory_space<hbm>>
      tpu.enqueue_dma source(%dma_start3A_151 : memref<3328xi32, #tpu.memory_space<hbm>>) target(%arg6 : memref<3328xi32, #tpu.memory_space<vmem>>) target_semaphore(%run_scoped3A_145 : memref<!tpu.dma_semaphore, #tpu.memory_space<semaphore_mem>>)
      %dma_wait3A_152 = arith.constant 0 : i32
      %dma_wait3A_153 = tpu.memref_slice %arg2[%add3A, %run_scoped3A, %dma_wait3A_152] : memref<32x4x3328xi32, #tpu.memory_space<hbm>> -> memref<1x1x3328xi32, #tpu.memory_space<hbm>>
      %dma_wait3A_154 = tpu.memref_squeeze %dma_wait3A_153 : memref<1x1x3328xi32, #tpu.memory_space<hbm>> -> memref<3328xi32, #tpu.memory_space<hbm>>
      %dma_wait3A_155 = arith.constant 0 : i32
      %dma_wait3A_156 = tpu.memref_slice %arg2[%add3A, %run_scoped3A, %dma_wait3A_155] : memref<32x4x3328xi32, #tpu.memory_space<hbm>> -> memref<1x1x3328xi32, #tpu.memory_space<hbm>>
      %dma_wait3A_157 = tpu.memref_squeeze %dma_wait3A_156 : memref<1x1x3328xi32, #tpu.memory_space<hbm>> -> memref<3328xi32, #tpu.memory_space<hbm>>
      tpu.wait_dma2 semaphore(%run_scoped3A_145 : memref<!tpu.dma_semaphore, #tpu.memory_space<semaphore_mem>>) src(%dma_wait3A_157 : memref<3328xi32, #tpu.memory_space<hbm>>) dst(%arg6 : memref<3328xi32, #tpu.memory_space<vmem>>)
      tpu.yield
    }) : () -> ()
    %dma_start3A = arith.constant 0 : i32
    %dma_start3A_5 = arith.constant 0 : i32
    %dma_start3A_6 = tpu.memref_slice %arg3[%dma_start3A, %dma_start3A_5] : memref<2600000x16xf32, #tpu.memory_space<hbm>> -> memref<2600000x16xf32, #tpu.memory_space<hbm>>
    tpu.enqueue_indirect_dma source(%dma_start3A_6 : memref<2600000x16xf32, #tpu.memory_space<hbm>>) target(%arg8 : memref<3328x16xf32, #tpu.memory_space<vmem>>) offsets(%arg6 : memref<3328xi32, #tpu.memory_space<vmem>>) semaphore(%arg12 : memref<!tpu.dma_semaphore, #tpu.memory_space<semaphore_mem>>)
    "tpu.region"() ({
      %run_scoped3A_145 = tpu.sem_alloc : memref<!tpu.dma_semaphore, #tpu.memory_space<semaphore_mem>>
      %dma_start3A_146 = arith.constant 0 : i32
      %dma_start3A_147 = tpu.memref_slice %arg4[%add3A_4, %dma_start3A_146] : memref<16384x13xf32, #tpu.memory_space<hbm>> -> memref<128x13xf32, #tpu.memory_space<hbm>>
      %dma_start3A_148 = arith.constant 0 : i32
      %dma_start3A_149 = tpu.memref_slice %arg4[%add3A_4, %dma_start3A_148] : memref<16384x13xf32, #tpu.memory_space<hbm>> -> memref<128x13xf32, #tpu.memory_space<hbm>>
      tpu.enqueue_dma source(%dma_start3A_149 : memref<128x13xf32, #tpu.memory_space<hbm>>) target(%arg10 : memref<128x13xf32, #tpu.memory_space<vmem>>) target_semaphore(%run_scoped3A_145 : memref<!tpu.dma_semaphore, #tpu.memory_space<semaphore_mem>>)
      %dma_wait3A_150 = arith.constant 0 : i32
      %dma_wait3A_151 = tpu.memref_slice %arg4[%add3A_4, %dma_wait3A_150] : memref<16384x13xf32, #tpu.memory_space<hbm>> -> memref<128x13xf32, #tpu.memory_space<hbm>>
      %dma_wait3A_152 = arith.constant 0 : i32
      %dma_wait3A_153 = tpu.memref_slice %arg4[%add3A_4, %dma_wait3A_152] : memref<16384x13xf32, #tpu.memory_space<hbm>> -> memref<128x13xf32, #tpu.memory_space<hbm>>
      tpu.wait_dma2 semaphore(%run_scoped3A_145 : memref<!tpu.dma_semaphore, #tpu.memory_space<semaphore_mem>>) src(%dma_wait3A_153 : memref<128x13xf32, #tpu.memory_space<hbm>>) dst(%arg10 : memref<128x13xf32, #tpu.memory_space<vmem>>)
      tpu.yield
    }) : () -> ()
    %mul3A_7 = arith.constant 512 : i32
    %mul3A_8 = arith.muli %add3A, %mul3A_7 : i32
    %add3A_9 = arith.constant 128 : i32
    %add3A_10 = arith.addi %mul3A_8, %add3A_9 : i32
    %run_scoped3A_11 = arith.constant 1 : i32
    "tpu.region"() ({
      %run_scoped3A_145 = tpu.sem_alloc : memref<!tpu.dma_semaphore, #tpu.memory_space<semaphore_mem>>
      %dma_start3A_146 = arith.constant 0 : i32
      %dma_start3A_147 = tpu.memref_slice %arg2[%add3A, %run_scoped3A_11, %dma_start3A_146] : memref<32x4x3328xi32, #tpu.memory_space<hbm>> -> memref<1x1x3328xi32, #tpu.memory_space<hbm>>
      %dma_start3A_148 = tpu.memref_squeeze %dma_start3A_147 : memref<1x1x3328xi32, #tpu.memory_space<hbm>> -> memref<3328xi32, #tpu.memory_space<hbm>>
      %dma_start3A_149 = arith.constant 0 : i32
      %dma_start3A_150 = tpu.memref_slice %arg2[%add3A, %run_scoped3A_11, %dma_start3A_149] : memref<32x4x3328xi32, #tpu.memory_space<hbm>> -> memref<1x1x3328xi32, #tpu.memory_space<hbm>>
      %dma_start3A_151 = tpu.memref_squeeze %dma_start3A_150 : memref<1x1x3328xi32, #tpu.memory_space<hbm>> -> memref<3328xi32, #tpu.memory_space<hbm>>
      tpu.enqueue_dma source(%dma_start3A_151 : memref<3328xi32, #tpu.memory_space<hbm>>) target(%arg7 : memref<3328xi32, #tpu.memory_space<vmem>>) target_semaphore(%run_scoped3A_145 : memref<!tpu.dma_semaphore, #tpu.memory_space<semaphore_mem>>)
      %dma_wait3A_152 = arith.constant 0 : i32
      %dma_wait3A_153 = tpu.memref_slice %arg2[%add3A, %run_scoped3A_11, %dma_wait3A_152] : memref<32x4x3328xi32, #tpu.memory_space<hbm>> -> memref<1x1x3328xi32, #tpu.memory_space<hbm>>
      %dma_wait3A_154 = tpu.memref_squeeze %dma_wait3A_153 : memref<1x1x3328xi32, #tpu.memory_space<hbm>> -> memref<3328xi32, #tpu.memory_space<hbm>>
      %dma_wait3A_155 = arith.constant 0 : i32
      %dma_wait3A_156 = tpu.memref_slice %arg2[%add3A, %run_scoped3A_11, %dma_wait3A_155] : memref<32x4x3328xi32, #tpu.memory_space<hbm>> -> memref<1x1x3328xi32, #tpu.memory_space<hbm>>
      %dma_wait3A_157 = tpu.memref_squeeze %dma_wait3A_156 : memref<1x1x3328xi32, #tpu.memory_space<hbm>> -> memref<3328xi32, #tpu.memory_space<hbm>>
      tpu.wait_dma2 semaphore(%run_scoped3A_145 : memref<!tpu.dma_semaphore, #tpu.memory_space<semaphore_mem>>) src(%dma_wait3A_157 : memref<3328xi32, #tpu.memory_space<hbm>>) dst(%arg7 : memref<3328xi32, #tpu.memory_space<vmem>>)
      tpu.yield
    }) : () -> ()
    %dma_start3A_12 = arith.constant 0 : i32
    %dma_start3A_13 = arith.constant 0 : i32
    %dma_start3A_14 = tpu.memref_slice %arg3[%dma_start3A_12, %dma_start3A_13] : memref<2600000x16xf32, #tpu.memory_space<hbm>> -> memref<2600000x16xf32, #tpu.memory_space<hbm>>
    tpu.enqueue_indirect_dma source(%dma_start3A_14 : memref<2600000x16xf32, #tpu.memory_space<hbm>>) target(%arg9 : memref<3328x16xf32, #tpu.memory_space<vmem>>) offsets(%arg7 : memref<3328xi32, #tpu.memory_space<vmem>>) semaphore(%arg12 : memref<!tpu.dma_semaphore, #tpu.memory_space<semaphore_mem>>)
    "tpu.region"() ({
      %run_scoped3A_145 = tpu.sem_alloc : memref<!tpu.dma_semaphore, #tpu.memory_space<semaphore_mem>>
      %dma_start3A_146 = arith.constant 0 : i32
      %dma_start3A_147 = tpu.memref_slice %arg4[%add3A_10, %dma_start3A_146] : memref<16384x13xf32, #tpu.memory_space<hbm>> -> memref<128x13xf32, #tpu.memory_space<hbm>>
      %dma_start3A_148 = arith.constant 0 : i32
      %dma_start3A_149 = tpu.memref_slice %arg4[%add3A_10, %dma_start3A_148] : memref<16384x13xf32, #tpu.memory_space<hbm>> -> memref<128x13xf32, #tpu.memory_space<hbm>>
      tpu.enqueue_dma source(%dma_start3A_149 : memref<128x13xf32, #tpu.memory_space<hbm>>) target(%arg11 : memref<128x13xf32, #tpu.memory_space<vmem>>) target_semaphore(%run_scoped3A_145 : memref<!tpu.dma_semaphore, #tpu.memory_space<semaphore_mem>>)
      %dma_wait3A_150 = arith.constant 0 : i32
      %dma_wait3A_151 = tpu.memref_slice %arg4[%add3A_10, %dma_wait3A_150] : memref<16384x13xf32, #tpu.memory_space<hbm>> -> memref<128x13xf32, #tpu.memory_space<hbm>>
      %dma_wait3A_152 = arith.constant 0 : i32
      %dma_wait3A_153 = tpu.memref_slice %arg4[%add3A_10, %dma_wait3A_152] : memref<16384x13xf32, #tpu.memory_space<hbm>> -> memref<128x13xf32, #tpu.memory_space<hbm>>
      tpu.wait_dma2 semaphore(%run_scoped3A_145 : memref<!tpu.dma_semaphore, #tpu.memory_space<semaphore_mem>>) src(%dma_wait3A_153 : memref<128x13xf32, #tpu.memory_space<hbm>>) dst(%arg11 : memref<128x13xf32, #tpu.memory_space<vmem>>)
      tpu.yield
    }) : () -> ()
    %mul3A_15 = arith.constant 512 : i32
    %mul3A_16 = arith.muli %add3A, %mul3A_15 : i32
    %add3A_17 = arith.constant 0 : i32
    %add3A_18 = arith.addi %mul3A_16, %add3A_17 : i32
    %dma_wait3A = arith.constant 0 : i32
    %dma_wait3A_19 = arith.constant 0 : i32
    %dma_wait3A_20 = tpu.memref_slice %arg3[%dma_wait3A, %dma_wait3A_19] : memref<2600000x16xf32, #tpu.memory_space<hbm>> -> memref<2600000x16xf32, #tpu.memory_space<hbm>>
    tpu.wait_indirect_dma semaphore(%arg12 : memref<!tpu.dma_semaphore, #tpu.memory_space<semaphore_mem>>) src(%dma_wait3A_20 : memref<2600000x16xf32, #tpu.memory_space<hbm>>) dst(%arg8 : memref<3328x16xf32, #tpu.memory_space<vmem>>)
    %scan3A = arith.constant 0 : i32
    %scan3A_21 = arith.constant 26 : i32
    %scan3A_22 = arith.addi %scan3A, %scan3A_21 : i32
    %scan3A_23 = arith.constant 1 : i32
    scf.for %scan3A_145 = %scan3A to %scan3A_22 step %scan3A_23  : i32 {
      %mul3A_146 = arith.constant 1 : i32
      %mul3A_147 = arith.muli %scan3A_145, %mul3A_146 : i32
      %add3A_148 = arith.constant 0 : i32
      %add3A_149 = arith.addi %add3A_148, %mul3A_147 : i32
      %mul3A_150 = arith.constant 128 : i32
      %mul3A_151 = arith.muli %add3A_149, %mul3A_150 : i32
      %mul3A_152 = arith.constant 16 : i32
      %mul3A_153 = arith.muli %add3A_149, %mul3A_152 : i32
      %dma_start3A_154 = arith.constant 0 : i32
      %dma_start3A_155 = tpu.memref_slice %arg8[%mul3A_151, %dma_start3A_154] : memref<3328x16xf32, #tpu.memory_space<vmem>> -> memref<128x16xf32, #tpu.memory_space<vmem>>
      %dma_start3A_156 = tpu.memref_slice %arg5[%add3A_18, %mul3A_153] : memref<16384x429xf32, #tpu.memory_space<hbm>> -> memref<128x16xf32, #tpu.memory_space<hbm>>
      %dma_start3A_157 = tpu.memref_slice %arg5[%add3A_18, %mul3A_153] : memref<16384x429xf32, #tpu.memory_space<hbm>> -> memref<128x16xf32, #tpu.memory_space<hbm>>
      %dma_start3A_158 = arith.constant 0 : i32
      %dma_start3A_159 = tpu.memref_slice %arg8[%mul3A_151, %dma_start3A_158] : memref<3328x16xf32, #tpu.memory_space<vmem>> -> memref<128x16xf32, #tpu.memory_space<vmem>>
      tpu.enqueue_dma source(%dma_start3A_159 : memref<128x16xf32, #tpu.memory_space<vmem>>) target(%dma_start3A_157 : memref<128x16xf32, #tpu.memory_space<hbm>>) target_semaphore(%arg13 : memref<!tpu.dma_semaphore, #tpu.memory_space<semaphore_mem>>)
    }
    %scan3A_24 = arith.constant 26 : i32
    %dma_start3A_25 = arith.constant 416 : i32
    %dma_start3A_26 = tpu.memref_slice %arg5[%add3A_18, %dma_start3A_25] : memref<16384x429xf32, #tpu.memory_space<hbm>> -> memref<128x13xf32, #tpu.memory_space<hbm>>
    %dma_start3A_27 = arith.constant 416 : i32
    %dma_start3A_28 = tpu.memref_slice %arg5[%add3A_18, %dma_start3A_27] : memref<16384x429xf32, #tpu.memory_space<hbm>> -> memref<128x13xf32, #tpu.memory_space<hbm>>
    tpu.enqueue_dma source(%arg10 : memref<128x13xf32, #tpu.memory_space<vmem>>) target(%dma_start3A_28 : memref<128x13xf32, #tpu.memory_space<hbm>>) target_semaphore(%arg13 : memref<!tpu.dma_semaphore, #tpu.memory_space<semaphore_mem>>)
    %mul3A_29 = arith.constant 512 : i32
    %mul3A_30 = arith.muli %add3A, %mul3A_29 : i32
    %add3A_31 = arith.constant 0 : i32
    %add3A_32 = arith.addi %mul3A_30, %add3A_31 : i32
    %scan3A_33 = arith.constant 0 : i32
    %scan3A_34 = arith.constant 26 : i32
    %scan3A_35 = arith.addi %scan3A_33, %scan3A_34 : i32
    %scan3A_36 = arith.constant 1 : i32
    scf.for %scan3A_145 = %scan3A_33 to %scan3A_35 step %scan3A_36  : i32 {
      %mul3A_146 = arith.constant 1 : i32
      %mul3A_147 = arith.muli %scan3A_145, %mul3A_146 : i32
      %add3A_148 = arith.constant 0 : i32
      %add3A_149 = arith.addi %add3A_148, %mul3A_147 : i32
      %mul3A_150 = arith.constant 128 : i32
      %mul3A_151 = arith.muli %add3A_149, %mul3A_150 : i32
      %mul3A_152 = arith.constant 16 : i32
      %mul3A_153 = arith.muli %add3A_149, %mul3A_152 : i32
      %dma_wait3A_154 = arith.constant 0 : i32
      %dma_wait3A_155 = tpu.memref_slice %arg8[%mul3A_151, %dma_wait3A_154] : memref<3328x16xf32, #tpu.memory_space<vmem>> -> memref<128x16xf32, #tpu.memory_space<vmem>>
      %dma_wait3A_156 = tpu.memref_slice %arg5[%add3A_32, %mul3A_153] : memref<16384x429xf32, #tpu.memory_space<hbm>> -> memref<128x16xf32, #tpu.memory_space<hbm>>
      %dma_wait3A_157 = tpu.memref_slice %arg5[%add3A_32, %mul3A_153] : memref<16384x429xf32, #tpu.memory_space<hbm>> -> memref<128x16xf32, #tpu.memory_space<hbm>>
      %dma_wait3A_158 = arith.constant 0 : i32
      %dma_wait3A_159 = tpu.memref_slice %arg8[%mul3A_151, %dma_wait3A_158] : memref<3328x16xf32, #tpu.memory_space<vmem>> -> memref<128x16xf32, #tpu.memory_space<vmem>>
      tpu.wait_dma2 semaphore(%arg13 : memref<!tpu.dma_semaphore, #tpu.memory_space<semaphore_mem>>) src(%dma_wait3A_159 : memref<128x16xf32, #tpu.memory_space<vmem>>) dst(%dma_wait3A_157 : memref<128x16xf32, #tpu.memory_space<hbm>>)
    }
    %scan3A_37 = arith.constant 26 : i32
    %dma_wait3A_38 = arith.constant 416 : i32
    %dma_wait3A_39 = tpu.memref_slice %arg5[%add3A_32, %dma_wait3A_38] : memref<16384x429xf32, #tpu.memory_space<hbm>> -> memref<128x13xf32, #tpu.memory_space<hbm>>
    %dma_wait3A_40 = arith.constant 416 : i32
    %dma_wait3A_41 = tpu.memref_slice %arg5[%add3A_32, %dma_wait3A_40] : memref<16384x429xf32, #tpu.memory_space<hbm>> -> memref<128x13xf32, #tpu.memory_space<hbm>>
    tpu.wait_dma2 semaphore(%arg13 : memref<!tpu.dma_semaphore, #tpu.memory_space<semaphore_mem>>) src(%arg10 : memref<128x13xf32, #tpu.memory_space<vmem>>) dst(%dma_wait3A_41 : memref<128x13xf32, #tpu.memory_space<hbm>>)
    %mul3A_42 = arith.constant 512 : i32
    %mul3A_43 = arith.muli %add3A, %mul3A_42 : i32
    %add3A_44 = arith.constant 256 : i32
    %add3A_45 = arith.addi %mul3A_43, %add3A_44 : i32
    %run_scoped3A_46 = arith.constant 2 : i32
    "tpu.region"() ({
      %run_scoped3A_145 = tpu.sem_alloc : memref<!tpu.dma_semaphore, #tpu.memory_space<semaphore_mem>>
      %dma_start3A_146 = arith.constant 0 : i32
      %dma_start3A_147 = tpu.memref_slice %arg2[%add3A, %run_scoped3A_46, %dma_start3A_146] : memref<32x4x3328xi32, #tpu.memory_space<hbm>> -> memref<1x1x3328xi32, #tpu.memory_space<hbm>>
      %dma_start3A_148 = tpu.memref_squeeze %dma_start3A_147 : memref<1x1x3328xi32, #tpu.memory_space<hbm>> -> memref<3328xi32, #tpu.memory_space<hbm>>
      %dma_start3A_149 = arith.constant 0 : i32
      %dma_start3A_150 = tpu.memref_slice %arg2[%add3A, %run_scoped3A_46, %dma_start3A_149] : memref<32x4x3328xi32, #tpu.memory_space<hbm>> -> memref<1x1x3328xi32, #tpu.memory_space<hbm>>
      %dma_start3A_151 = tpu.memref_squeeze %dma_start3A_150 : memref<1x1x3328xi32, #tpu.memory_space<hbm>> -> memref<3328xi32, #tpu.memory_space<hbm>>
      tpu.enqueue_dma source(%dma_start3A_151 : memref<3328xi32, #tpu.memory_space<hbm>>) target(%arg6 : memref<3328xi32, #tpu.memory_space<vmem>>) target_semaphore(%run_scoped3A_145 : memref<!tpu.dma_semaphore, #tpu.memory_space<semaphore_mem>>)
      %dma_wait3A_152 = arith.constant 0 : i32
      %dma_wait3A_153 = tpu.memref_slice %arg2[%add3A, %run_scoped3A_46, %dma_wait3A_152] : memref<32x4x3328xi32, #tpu.memory_space<hbm>> -> memref<1x1x3328xi32, #tpu.memory_space<hbm>>
      %dma_wait3A_154 = tpu.memref_squeeze %dma_wait3A_153 : memref<1x1x3328xi32, #tpu.memory_space<hbm>> -> memref<3328xi32, #tpu.memory_space<hbm>>
      %dma_wait3A_155 = arith.constant 0 : i32
      %dma_wait3A_156 = tpu.memref_slice %arg2[%add3A, %run_scoped3A_46, %dma_wait3A_155] : memref<32x4x3328xi32, #tpu.memory_space<hbm>> -> memref<1x1x3328xi32, #tpu.memory_space<hbm>>
      %dma_wait3A_157 = tpu.memref_squeeze %dma_wait3A_156 : memref<1x1x3328xi32, #tpu.memory_space<hbm>> -> memref<3328xi32, #tpu.memory_space<hbm>>
      tpu.wait_dma2 semaphore(%run_scoped3A_145 : memref<!tpu.dma_semaphore, #tpu.memory_space<semaphore_mem>>) src(%dma_wait3A_157 : memref<3328xi32, #tpu.memory_space<hbm>>) dst(%arg6 : memref<3328xi32, #tpu.memory_space<vmem>>)
      tpu.yield
    }) : () -> ()
    %dma_start3A_47 = arith.constant 0 : i32
    %dma_start3A_48 = arith.constant 0 : i32
    %dma_start3A_49 = tpu.memref_slice %arg3[%dma_start3A_47, %dma_start3A_48] : memref<2600000x16xf32, #tpu.memory_space<hbm>> -> memref<2600000x16xf32, #tpu.memory_space<hbm>>
    tpu.enqueue_indirect_dma source(%dma_start3A_49 : memref<2600000x16xf32, #tpu.memory_space<hbm>>) target(%arg8 : memref<3328x16xf32, #tpu.memory_space<vmem>>) offsets(%arg6 : memref<3328xi32, #tpu.memory_space<vmem>>) semaphore(%arg12 : memref<!tpu.dma_semaphore, #tpu.memory_space<semaphore_mem>>)
    "tpu.region"() ({
      %run_scoped3A_145 = tpu.sem_alloc : memref<!tpu.dma_semaphore, #tpu.memory_space<semaphore_mem>>
      %dma_start3A_146 = arith.constant 0 : i32
      %dma_start3A_147 = tpu.memref_slice %arg4[%add3A_45, %dma_start3A_146] : memref<16384x13xf32, #tpu.memory_space<hbm>> -> memref<128x13xf32, #tpu.memory_space<hbm>>
      %dma_start3A_148 = arith.constant 0 : i32
      %dma_start3A_149 = tpu.memref_slice %arg4[%add3A_45, %dma_start3A_148] : memref<16384x13xf32, #tpu.memory_space<hbm>> -> memref<128x13xf32, #tpu.memory_space<hbm>>
      tpu.enqueue_dma source(%dma_start3A_149 : memref<128x13xf32, #tpu.memory_space<hbm>>) target(%arg10 : memref<128x13xf32, #tpu.memory_space<vmem>>) target_semaphore(%run_scoped3A_145 : memref<!tpu.dma_semaphore, #tpu.memory_space<semaphore_mem>>)
      %dma_wait3A_150 = arith.constant 0 : i32
      %dma_wait3A_151 = tpu.memref_slice %arg4[%add3A_45, %dma_wait3A_150] : memref<16384x13xf32, #tpu.memory_space<hbm>> -> memref<128x13xf32, #tpu.memory_space<hbm>>
      %dma_wait3A_152 = arith.constant 0 : i32
      %dma_wait3A_153 = tpu.memref_slice %arg4[%add3A_45, %dma_wait3A_152] : memref<16384x13xf32, #tpu.memory_space<hbm>> -> memref<128x13xf32, #tpu.memory_space<hbm>>
      tpu.wait_dma2 semaphore(%run_scoped3A_145 : memref<!tpu.dma_semaphore, #tpu.memory_space<semaphore_mem>>) src(%dma_wait3A_153 : memref<128x13xf32, #tpu.memory_space<hbm>>) dst(%arg10 : memref<128x13xf32, #tpu.memory_space<vmem>>)
      tpu.yield
    }) : () -> ()
    %mul3A_50 = arith.constant 512 : i32
    %mul3A_51 = arith.muli %add3A, %mul3A_50 : i32
    %add3A_52 = arith.constant 128 : i32
    %add3A_53 = arith.addi %mul3A_51, %add3A_52 : i32
    %dma_wait3A_54 = arith.constant 0 : i32
    %dma_wait3A_55 = arith.constant 0 : i32
    %dma_wait3A_56 = tpu.memref_slice %arg3[%dma_wait3A_54, %dma_wait3A_55] : memref<2600000x16xf32, #tpu.memory_space<hbm>> -> memref<2600000x16xf32, #tpu.memory_space<hbm>>
    tpu.wait_indirect_dma semaphore(%arg12 : memref<!tpu.dma_semaphore, #tpu.memory_space<semaphore_mem>>) src(%dma_wait3A_56 : memref<2600000x16xf32, #tpu.memory_space<hbm>>) dst(%arg9 : memref<3328x16xf32, #tpu.memory_space<vmem>>)
    %scan3A_57 = arith.constant 0 : i32
    %scan3A_58 = arith.constant 26 : i32
    %scan3A_59 = arith.addi %scan3A_57, %scan3A_58 : i32
    %scan3A_60 = arith.constant 1 : i32
    scf.for %scan3A_145 = %scan3A_57 to %scan3A_59 step %scan3A_60  : i32 {
      %mul3A_146 = arith.constant 1 : i32
      %mul3A_147 = arith.muli %scan3A_145, %mul3A_146 : i32
      %add3A_148 = arith.constant 0 : i32
      %add3A_149 = arith.addi %add3A_148, %mul3A_147 : i32
      %mul3A_150 = arith.constant 128 : i32
      %mul3A_151 = arith.muli %add3A_149, %mul3A_150 : i32
      %mul3A_152 = arith.constant 16 : i32
      %mul3A_153 = arith.muli %add3A_149, %mul3A_152 : i32
      %dma_start3A_154 = arith.constant 0 : i32
      %dma_start3A_155 = tpu.memref_slice %arg9[%mul3A_151, %dma_start3A_154] : memref<3328x16xf32, #tpu.memory_space<vmem>> -> memref<128x16xf32, #tpu.memory_space<vmem>>
      %dma_start3A_156 = tpu.memref_slice %arg5[%add3A_53, %mul3A_153] : memref<16384x429xf32, #tpu.memory_space<hbm>> -> memref<128x16xf32, #tpu.memory_space<hbm>>
      %dma_start3A_157 = tpu.memref_slice %arg5[%add3A_53, %mul3A_153] : memref<16384x429xf32, #tpu.memory_space<hbm>> -> memref<128x16xf32, #tpu.memory_space<hbm>>
      %dma_start3A_158 = arith.constant 0 : i32
      %dma_start3A_159 = tpu.memref_slice %arg9[%mul3A_151, %dma_start3A_158] : memref<3328x16xf32, #tpu.memory_space<vmem>> -> memref<128x16xf32, #tpu.memory_space<vmem>>
      tpu.enqueue_dma source(%dma_start3A_159 : memref<128x16xf32, #tpu.memory_space<vmem>>) target(%dma_start3A_157 : memref<128x16xf32, #tpu.memory_space<hbm>>) target_semaphore(%arg13 : memref<!tpu.dma_semaphore, #tpu.memory_space<semaphore_mem>>)
    }
    %scan3A_61 = arith.constant 26 : i32
    %dma_start3A_62 = arith.constant 416 : i32
    %dma_start3A_63 = tpu.memref_slice %arg5[%add3A_53, %dma_start3A_62] : memref<16384x429xf32, #tpu.memory_space<hbm>> -> memref<128x13xf32, #tpu.memory_space<hbm>>
    %dma_start3A_64 = arith.constant 416 : i32
    %dma_start3A_65 = tpu.memref_slice %arg5[%add3A_53, %dma_start3A_64] : memref<16384x429xf32, #tpu.memory_space<hbm>> -> memref<128x13xf32, #tpu.memory_space<hbm>>
    tpu.enqueue_dma source(%arg11 : memref<128x13xf32, #tpu.memory_space<vmem>>) target(%dma_start3A_65 : memref<128x13xf32, #tpu.memory_space<hbm>>) target_semaphore(%arg13 : memref<!tpu.dma_semaphore, #tpu.memory_space<semaphore_mem>>)
    %mul3A_66 = arith.constant 512 : i32
    %mul3A_67 = arith.muli %add3A, %mul3A_66 : i32
    %add3A_68 = arith.constant 128 : i32
    %add3A_69 = arith.addi %mul3A_67, %add3A_68 : i32
    %scan3A_70 = arith.constant 0 : i32
    %scan3A_71 = arith.constant 26 : i32
    %scan3A_72 = arith.addi %scan3A_70, %scan3A_71 : i32
    %scan3A_73 = arith.constant 1 : i32
    scf.for %scan3A_145 = %scan3A_70 to %scan3A_72 step %scan3A_73  : i32 {
      %mul3A_146 = arith.constant 1 : i32
      %mul3A_147 = arith.muli %scan3A_145, %mul3A_146 : i32
      %add3A_148 = arith.constant 0 : i32
      %add3A_149 = arith.addi %add3A_148, %mul3A_147 : i32
      %mul3A_150 = arith.constant 128 : i32
      %mul3A_151 = arith.muli %add3A_149, %mul3A_150 : i32
      %mul3A_152 = arith.constant 16 : i32
      %mul3A_153 = arith.muli %add3A_149, %mul3A_152 : i32
      %dma_wait3A_154 = arith.constant 0 : i32
      %dma_wait3A_155 = tpu.memref_slice %arg9[%mul3A_151, %dma_wait3A_154] : memref<3328x16xf32, #tpu.memory_space<vmem>> -> memref<128x16xf32, #tpu.memory_space<vmem>>
      %dma_wait3A_156 = tpu.memref_slice %arg5[%add3A_69, %mul3A_153] : memref<16384x429xf32, #tpu.memory_space<hbm>> -> memref<128x16xf32, #tpu.memory_space<hbm>>
      %dma_wait3A_157 = tpu.memref_slice %arg5[%add3A_69, %mul3A_153] : memref<16384x429xf32, #tpu.memory_space<hbm>> -> memref<128x16xf32, #tpu.memory_space<hbm>>
      %dma_wait3A_158 = arith.constant 0 : i32
      %dma_wait3A_159 = tpu.memref_slice %arg9[%mul3A_151, %dma_wait3A_158] : memref<3328x16xf32, #tpu.memory_space<vmem>> -> memref<128x16xf32, #tpu.memory_space<vmem>>
      tpu.wait_dma2 semaphore(%arg13 : memref<!tpu.dma_semaphore, #tpu.memory_space<semaphore_mem>>) src(%dma_wait3A_159 : memref<128x16xf32, #tpu.memory_space<vmem>>) dst(%dma_wait3A_157 : memref<128x16xf32, #tpu.memory_space<hbm>>)
    }
    %scan3A_74 = arith.constant 26 : i32
    %dma_wait3A_75 = arith.constant 416 : i32
    %dma_wait3A_76 = tpu.memref_slice %arg5[%add3A_69, %dma_wait3A_75] : memref<16384x429xf32, #tpu.memory_space<hbm>> -> memref<128x13xf32, #tpu.memory_space<hbm>>
    %dma_wait3A_77 = arith.constant 416 : i32
    %dma_wait3A_78 = tpu.memref_slice %arg5[%add3A_69, %dma_wait3A_77] : memref<16384x429xf32, #tpu.memory_space<hbm>> -> memref<128x13xf32, #tpu.memory_space<hbm>>
    tpu.wait_dma2 semaphore(%arg13 : memref<!tpu.dma_semaphore, #tpu.memory_space<semaphore_mem>>) src(%arg11 : memref<128x13xf32, #tpu.memory_space<vmem>>) dst(%dma_wait3A_78 : memref<128x13xf32, #tpu.memory_space<hbm>>)
    %mul3A_79 = arith.constant 512 : i32
    %mul3A_80 = arith.muli %add3A, %mul3A_79 : i32
    %add3A_81 = arith.constant 384 : i32
    %add3A_82 = arith.addi %mul3A_80, %add3A_81 : i32
    %run_scoped3A_83 = arith.constant 3 : i32
    "tpu.region"() ({
      %run_scoped3A_145 = tpu.sem_alloc : memref<!tpu.dma_semaphore, #tpu.memory_space<semaphore_mem>>
      %dma_start3A_146 = arith.constant 0 : i32
      %dma_start3A_147 = tpu.memref_slice %arg2[%add3A, %run_scoped3A_83, %dma_start3A_146] : memref<32x4x3328xi32, #tpu.memory_space<hbm>> -> memref<1x1x3328xi32, #tpu.memory_space<hbm>>
      %dma_start3A_148 = tpu.memref_squeeze %dma_start3A_147 : memref<1x1x3328xi32, #tpu.memory_space<hbm>> -> memref<3328xi32, #tpu.memory_space<hbm>>
      %dma_start3A_149 = arith.constant 0 : i32
      %dma_start3A_150 = tpu.memref_slice %arg2[%add3A, %run_scoped3A_83, %dma_start3A_149] : memref<32x4x3328xi32, #tpu.memory_space<hbm>> -> memref<1x1x3328xi32, #tpu.memory_space<hbm>>
      %dma_start3A_151 = tpu.memref_squeeze %dma_start3A_150 : memref<1x1x3328xi32, #tpu.memory_space<hbm>> -> memref<3328xi32, #tpu.memory_space<hbm>>
      tpu.enqueue_dma source(%dma_start3A_151 : memref<3328xi32, #tpu.memory_space<hbm>>) target(%arg7 : memref<3328xi32, #tpu.memory_space<vmem>>) target_semaphore(%run_scoped3A_145 : memref<!tpu.dma_semaphore, #tpu.memory_space<semaphore_mem>>)
      %dma_wait3A_152 = arith.constant 0 : i32
      %dma_wait3A_153 = tpu.memref_slice %arg2[%add3A, %run_scoped3A_83, %dma_wait3A_152] : memref<32x4x3328xi32, #tpu.memory_space<hbm>> -> memref<1x1x3328xi32, #tpu.memory_space<hbm>>
      %dma_wait3A_154 = tpu.memref_squeeze %dma_wait3A_153 : memref<1x1x3328xi32, #tpu.memory_space<hbm>> -> memref<3328xi32, #tpu.memory_space<hbm>>
      %dma_wait3A_155 = arith.constant 0 : i32
      %dma_wait3A_156 = tpu.memref_slice %arg2[%add3A, %run_scoped3A_83, %dma_wait3A_155] : memref<32x4x3328xi32, #tpu.memory_space<hbm>> -> memref<1x1x3328xi32, #tpu.memory_space<hbm>>
      %dma_wait3A_157 = tpu.memref_squeeze %dma_wait3A_156 : memref<1x1x3328xi32, #tpu.memory_space<hbm>> -> memref<3328xi32, #tpu.memory_space<hbm>>
      tpu.wait_dma2 semaphore(%run_scoped3A_145 : memref<!tpu.dma_semaphore, #tpu.memory_space<semaphore_mem>>) src(%dma_wait3A_157 : memref<3328xi32, #tpu.memory_space<hbm>>) dst(%arg7 : memref<3328xi32, #tpu.memory_space<vmem>>)
      tpu.yield
    }) : () -> ()
    %dma_start3A_84 = arith.constant 0 : i32
    %dma_start3A_85 = arith.constant 0 : i32
    %dma_start3A_86 = tpu.memref_slice %arg3[%dma_start3A_84, %dma_start3A_85] : memref<2600000x16xf32, #tpu.memory_space<hbm>> -> memref<2600000x16xf32, #tpu.memory_space<hbm>>
    tpu.enqueue_indirect_dma source(%dma_start3A_86 : memref<2600000x16xf32, #tpu.memory_space<hbm>>) target(%arg9 : memref<3328x16xf32, #tpu.memory_space<vmem>>) offsets(%arg7 : memref<3328xi32, #tpu.memory_space<vmem>>) semaphore(%arg12 : memref<!tpu.dma_semaphore, #tpu.memory_space<semaphore_mem>>)
    "tpu.region"() ({
      %run_scoped3A_145 = tpu.sem_alloc : memref<!tpu.dma_semaphore, #tpu.memory_space<semaphore_mem>>
      %dma_start3A_146 = arith.constant 0 : i32
      %dma_start3A_147 = tpu.memref_slice %arg4[%add3A_82, %dma_start3A_146] : memref<16384x13xf32, #tpu.memory_space<hbm>> -> memref<128x13xf32, #tpu.memory_space<hbm>>
      %dma_start3A_148 = arith.constant 0 : i32
      %dma_start3A_149 = tpu.memref_slice %arg4[%add3A_82, %dma_start3A_148] : memref<16384x13xf32, #tpu.memory_space<hbm>> -> memref<128x13xf32, #tpu.memory_space<hbm>>
      tpu.enqueue_dma source(%dma_start3A_149 : memref<128x13xf32, #tpu.memory_space<hbm>>) target(%arg11 : memref<128x13xf32, #tpu.memory_space<vmem>>) target_semaphore(%run_scoped3A_145 : memref<!tpu.dma_semaphore, #tpu.memory_space<semaphore_mem>>)
      %dma_wait3A_150 = arith.constant 0 : i32
      %dma_wait3A_151 = tpu.memref_slice %arg4[%add3A_82, %dma_wait3A_150] : memref<16384x13xf32, #tpu.memory_space<hbm>> -> memref<128x13xf32, #tpu.memory_space<hbm>>
      %dma_wait3A_152 = arith.constant 0 : i32
      %dma_wait3A_153 = tpu.memref_slice %arg4[%add3A_82, %dma_wait3A_152] : memref<16384x13xf32, #tpu.memory_space<hbm>> -> memref<128x13xf32, #tpu.memory_space<hbm>>
      tpu.wait_dma2 semaphore(%run_scoped3A_145 : memref<!tpu.dma_semaphore, #tpu.memory_space<semaphore_mem>>) src(%dma_wait3A_153 : memref<128x13xf32, #tpu.memory_space<hbm>>) dst(%arg11 : memref<128x13xf32, #tpu.memory_space<vmem>>)
      tpu.yield
    }) : () -> ()
    %mul3A_87 = arith.constant 512 : i32
    %mul3A_88 = arith.muli %add3A, %mul3A_87 : i32
    %add3A_89 = arith.constant 256 : i32
    %add3A_90 = arith.addi %mul3A_88, %add3A_89 : i32
    %dma_wait3A_91 = arith.constant 0 : i32
    %dma_wait3A_92 = arith.constant 0 : i32
    %dma_wait3A_93 = tpu.memref_slice %arg3[%dma_wait3A_91, %dma_wait3A_92] : memref<2600000x16xf32, #tpu.memory_space<hbm>> -> memref<2600000x16xf32, #tpu.memory_space<hbm>>
    tpu.wait_indirect_dma semaphore(%arg12 : memref<!tpu.dma_semaphore, #tpu.memory_space<semaphore_mem>>) src(%dma_wait3A_93 : memref<2600000x16xf32, #tpu.memory_space<hbm>>) dst(%arg8 : memref<3328x16xf32, #tpu.memory_space<vmem>>)
    %scan3A_94 = arith.constant 0 : i32
    %scan3A_95 = arith.constant 26 : i32
    %scan3A_96 = arith.addi %scan3A_94, %scan3A_95 : i32
    %scan3A_97 = arith.constant 1 : i32
    scf.for %scan3A_145 = %scan3A_94 to %scan3A_96 step %scan3A_97  : i32 {
      %mul3A_146 = arith.constant 1 : i32
      %mul3A_147 = arith.muli %scan3A_145, %mul3A_146 : i32
      %add3A_148 = arith.constant 0 : i32
      %add3A_149 = arith.addi %add3A_148, %mul3A_147 : i32
      %mul3A_150 = arith.constant 128 : i32
      %mul3A_151 = arith.muli %add3A_149, %mul3A_150 : i32
      %mul3A_152 = arith.constant 16 : i32
      %mul3A_153 = arith.muli %add3A_149, %mul3A_152 : i32
      %dma_start3A_154 = arith.constant 0 : i32
      %dma_start3A_155 = tpu.memref_slice %arg8[%mul3A_151, %dma_start3A_154] : memref<3328x16xf32, #tpu.memory_space<vmem>> -> memref<128x16xf32, #tpu.memory_space<vmem>>
      %dma_start3A_156 = tpu.memref_slice %arg5[%add3A_90, %mul3A_153] : memref<16384x429xf32, #tpu.memory_space<hbm>> -> memref<128x16xf32, #tpu.memory_space<hbm>>
      %dma_start3A_157 = tpu.memref_slice %arg5[%add3A_90, %mul3A_153] : memref<16384x429xf32, #tpu.memory_space<hbm>> -> memref<128x16xf32, #tpu.memory_space<hbm>>
      %dma_start3A_158 = arith.constant 0 : i32
      %dma_start3A_159 = tpu.memref_slice %arg8[%mul3A_151, %dma_start3A_158] : memref<3328x16xf32, #tpu.memory_space<vmem>> -> memref<128x16xf32, #tpu.memory_space<vmem>>
      tpu.enqueue_dma source(%dma_start3A_159 : memref<128x16xf32, #tpu.memory_space<vmem>>) target(%dma_start3A_157 : memref<128x16xf32, #tpu.memory_space<hbm>>) target_semaphore(%arg13 : memref<!tpu.dma_semaphore, #tpu.memory_space<semaphore_mem>>)
    }
    %scan3A_98 = arith.constant 26 : i32
    %dma_start3A_99 = arith.constant 416 : i32
    %dma_start3A_100 = tpu.memref_slice %arg5[%add3A_90, %dma_start3A_99] : memref<16384x429xf32, #tpu.memory_space<hbm>> -> memref<128x13xf32, #tpu.memory_space<hbm>>
    %dma_start3A_101 = arith.constant 416 : i32
    %dma_start3A_102 = tpu.memref_slice %arg5[%add3A_90, %dma_start3A_101] : memref<16384x429xf32, #tpu.memory_space<hbm>> -> memref<128x13xf32, #tpu.memory_space<hbm>>
    tpu.enqueue_dma source(%arg10 : memref<128x13xf32, #tpu.memory_space<vmem>>) target(%dma_start3A_102 : memref<128x13xf32, #tpu.memory_space<hbm>>) target_semaphore(%arg13 : memref<!tpu.dma_semaphore, #tpu.memory_space<semaphore_mem>>)
    %mul3A_103 = arith.constant 512 : i32
    %mul3A_104 = arith.muli %add3A, %mul3A_103 : i32
    %add3A_105 = arith.constant 384 : i32
    %add3A_106 = arith.addi %mul3A_104, %add3A_105 : i32
    %dma_wait3A_107 = arith.constant 0 : i32
    %dma_wait3A_108 = arith.constant 0 : i32
    %dma_wait3A_109 = tpu.memref_slice %arg3[%dma_wait3A_107, %dma_wait3A_108] : memref<2600000x16xf32, #tpu.memory_space<hbm>> -> memref<2600000x16xf32, #tpu.memory_space<hbm>>
    tpu.wait_indirect_dma semaphore(%arg12 : memref<!tpu.dma_semaphore, #tpu.memory_space<semaphore_mem>>) src(%dma_wait3A_109 : memref<2600000x16xf32, #tpu.memory_space<hbm>>) dst(%arg9 : memref<3328x16xf32, #tpu.memory_space<vmem>>)
    %scan3A_110 = arith.constant 0 : i32
    %scan3A_111 = arith.constant 26 : i32
    %scan3A_112 = arith.addi %scan3A_110, %scan3A_111 : i32
    %scan3A_113 = arith.constant 1 : i32
    scf.for %scan3A_145 = %scan3A_110 to %scan3A_112 step %scan3A_113  : i32 {
      %mul3A_146 = arith.constant 1 : i32
      %mul3A_147 = arith.muli %scan3A_145, %mul3A_146 : i32
      %add3A_148 = arith.constant 0 : i32
      %add3A_149 = arith.addi %add3A_148, %mul3A_147 : i32
      %mul3A_150 = arith.constant 128 : i32
      %mul3A_151 = arith.muli %add3A_149, %mul3A_150 : i32
      %mul3A_152 = arith.constant 16 : i32
      %mul3A_153 = arith.muli %add3A_149, %mul3A_152 : i32
      %dma_start3A_154 = arith.constant 0 : i32
      %dma_start3A_155 = tpu.memref_slice %arg9[%mul3A_151, %dma_start3A_154] : memref<3328x16xf32, #tpu.memory_space<vmem>> -> memref<128x16xf32, #tpu.memory_space<vmem>>
      %dma_start3A_156 = tpu.memref_slice %arg5[%add3A_106, %mul3A_153] : memref<16384x429xf32, #tpu.memory_space<hbm>> -> memref<128x16xf32, #tpu.memory_space<hbm>>
      %dma_start3A_157 = tpu.memref_slice %arg5[%add3A_106, %mul3A_153] : memref<16384x429xf32, #tpu.memory_space<hbm>> -> memref<128x16xf32, #tpu.memory_space<hbm>>
      %dma_start3A_158 = arith.constant 0 : i32
      %dma_start3A_159 = tpu.memref_slice %arg9[%mul3A_151, %dma_start3A_158] : memref<3328x16xf32, #tpu.memory_space<vmem>> -> memref<128x16xf32, #tpu.memory_space<vmem>>
      tpu.enqueue_dma source(%dma_start3A_159 : memref<128x16xf32, #tpu.memory_space<vmem>>) target(%dma_start3A_157 : memref<128x16xf32, #tpu.memory_space<hbm>>) target_semaphore(%arg13 : memref<!tpu.dma_semaphore, #tpu.memory_space<semaphore_mem>>)
    }
    %scan3A_114 = arith.constant 26 : i32
    %dma_start3A_115 = arith.constant 416 : i32
    %dma_start3A_116 = tpu.memref_slice %arg5[%add3A_106, %dma_start3A_115] : memref<16384x429xf32, #tpu.memory_space<hbm>> -> memref<128x13xf32, #tpu.memory_space<hbm>>
    %dma_start3A_117 = arith.constant 416 : i32
    %dma_start3A_118 = tpu.memref_slice %arg5[%add3A_106, %dma_start3A_117] : memref<16384x429xf32, #tpu.memory_space<hbm>> -> memref<128x13xf32, #tpu.memory_space<hbm>>
    tpu.enqueue_dma source(%arg11 : memref<128x13xf32, #tpu.memory_space<vmem>>) target(%dma_start3A_118 : memref<128x13xf32, #tpu.memory_space<hbm>>) target_semaphore(%arg13 : memref<!tpu.dma_semaphore, #tpu.memory_space<semaphore_mem>>)
    %mul3A_119 = arith.constant 512 : i32
    %mul3A_120 = arith.muli %add3A, %mul3A_119 : i32
    %add3A_121 = arith.constant 256 : i32
    %add3A_122 = arith.addi %mul3A_120, %add3A_121 : i32
    %scan3A_123 = arith.constant 0 : i32
    %scan3A_124 = arith.constant 26 : i32
    %scan3A_125 = arith.addi %scan3A_123, %scan3A_124 : i32
    %scan3A_126 = arith.constant 1 : i32
    scf.for %scan3A_145 = %scan3A_123 to %scan3A_125 step %scan3A_126  : i32 {
      %mul3A_146 = arith.constant 1 : i32
      %mul3A_147 = arith.muli %scan3A_145, %mul3A_146 : i32
      %add3A_148 = arith.constant 0 : i32
      %add3A_149 = arith.addi %add3A_148, %mul3A_147 : i32
      %mul3A_150 = arith.constant 128 : i32
      %mul3A_151 = arith.muli %add3A_149, %mul3A_150 : i32
      %mul3A_152 = arith.constant 16 : i32
      %mul3A_153 = arith.muli %add3A_149, %mul3A_152 : i32
      %dma_wait3A_154 = arith.constant 0 : i32
      %dma_wait3A_155 = tpu.memref_slice %arg8[%mul3A_151, %dma_wait3A_154] : memref<3328x16xf32, #tpu.memory_space<vmem>> -> memref<128x16xf32, #tpu.memory_space<vmem>>
      %dma_wait3A_156 = tpu.memref_slice %arg5[%add3A_122, %mul3A_153] : memref<16384x429xf32, #tpu.memory_space<hbm>> -> memref<128x16xf32, #tpu.memory_space<hbm>>
      %dma_wait3A_157 = tpu.memref_slice %arg5[%add3A_122, %mul3A_153] : memref<16384x429xf32, #tpu.memory_space<hbm>> -> memref<128x16xf32, #tpu.memory_space<hbm>>
      %dma_wait3A_158 = arith.constant 0 : i32
      %dma_wait3A_159 = tpu.memref_slice %arg8[%mul3A_151, %dma_wait3A_158] : memref<3328x16xf32, #tpu.memory_space<vmem>> -> memref<128x16xf32, #tpu.memory_space<vmem>>
      tpu.wait_dma2 semaphore(%arg13 : memref<!tpu.dma_semaphore, #tpu.memory_space<semaphore_mem>>) src(%dma_wait3A_159 : memref<128x16xf32, #tpu.memory_space<vmem>>) dst(%dma_wait3A_157 : memref<128x16xf32, #tpu.memory_space<hbm>>)
    }
    %scan3A_127 = arith.constant 26 : i32
    %dma_wait3A_128 = arith.constant 416 : i32
    %dma_wait3A_129 = tpu.memref_slice %arg5[%add3A_122, %dma_wait3A_128] : memref<16384x429xf32, #tpu.memory_space<hbm>> -> memref<128x13xf32, #tpu.memory_space<hbm>>
    %dma_wait3A_130 = arith.constant 416 : i32
    %dma_wait3A_131 = tpu.memref_slice %arg5[%add3A_122, %dma_wait3A_130] : memref<16384x429xf32, #tpu.memory_space<hbm>> -> memref<128x13xf32, #tpu.memory_space<hbm>>
    tpu.wait_dma2 semaphore(%arg13 : memref<!tpu.dma_semaphore, #tpu.memory_space<semaphore_mem>>) src(%arg10 : memref<128x13xf32, #tpu.memory_space<vmem>>) dst(%dma_wait3A_131 : memref<128x13xf32, #tpu.memory_space<hbm>>)
    %mul3A_132 = arith.constant 512 : i32
    %mul3A_133 = arith.muli %add3A, %mul3A_132 : i32
    %add3A_134 = arith.constant 384 : i32
    %add3A_135 = arith.addi %mul3A_133, %add3A_134 : i32
    %scan3A_136 = arith.constant 0 : i32
    %scan3A_137 = arith.constant 26 : i32
    %scan3A_138 = arith.addi %scan3A_136, %scan3A_137 : i32
    %scan3A_139 = arith.constant 1 : i32
    scf.for %scan3A_145 = %scan3A_136 to %scan3A_138 step %scan3A_139  : i32 {
      %mul3A_146 = arith.constant 1 : i32
      %mul3A_147 = arith.muli %scan3A_145, %mul3A_146 : i32
      %add3A_148 = arith.constant 0 : i32
      %add3A_149 = arith.addi %add3A_148, %mul3A_147 : i32
      %mul3A_150 = arith.constant 128 : i32
      %mul3A_151 = arith.muli %add3A_149, %mul3A_150 : i32
      %mul3A_152 = arith.constant 16 : i32
      %mul3A_153 = arith.muli %add3A_149, %mul3A_152 : i32
      %dma_wait3A_154 = arith.constant 0 : i32
      %dma_wait3A_155 = tpu.memref_slice %arg9[%mul3A_151, %dma_wait3A_154] : memref<3328x16xf32, #tpu.memory_space<vmem>> -> memref<128x16xf32, #tpu.memory_space<vmem>>
      %dma_wait3A_156 = tpu.memref_slice %arg5[%add3A_135, %mul3A_153] : memref<16384x429xf32, #tpu.memory_space<hbm>> -> memref<128x16xf32, #tpu.memory_space<hbm>>
      %dma_wait3A_157 = tpu.memref_slice %arg5[%add3A_135, %mul3A_153] : memref<16384x429xf32, #tpu.memory_space<hbm>> -> memref<128x16xf32, #tpu.memory_space<hbm>>
      %dma_wait3A_158 = arith.constant 0 : i32
      %dma_wait3A_159 = tpu.memref_slice %arg9[%mul3A_151, %dma_wait3A_158] : memref<3328x16xf32, #tpu.memory_space<vmem>> -> memref<128x16xf32, #tpu.memory_space<vmem>>
      tpu.wait_dma2 semaphore(%arg13 : memref<!tpu.dma_semaphore, #tpu.memory_space<semaphore_mem>>) src(%dma_wait3A_159 : memref<128x16xf32, #tpu.memory_space<vmem>>) dst(%dma_wait3A_157 : memref<128x16xf32, #tpu.memory_space<hbm>>)
    }
    %scan3A_140 = arith.constant 26 : i32
    %dma_wait3A_141 = arith.constant 416 : i32
    %dma_wait3A_142 = tpu.memref_slice %arg5[%add3A_135, %dma_wait3A_141] : memref<16384x429xf32, #tpu.memory_space<hbm>> -> memref<128x13xf32, #tpu.memory_space<hbm>>
    %dma_wait3A_143 = arith.constant 416 : i32
    %dma_wait3A_144 = tpu.memref_slice %arg5[%add3A_135, %dma_wait3A_143] : memref<16384x429xf32, #tpu.memory_space<hbm>> -> memref<128x13xf32, #tpu.memory_space<hbm>>
    tpu.wait_dma2 semaphore(%arg13 : memref<!tpu.dma_semaphore, #tpu.memory_space<semaphore_mem>>) src(%arg11 : memref<128x13xf32, #tpu.memory_space<vmem>>) dst(%dma_wait3A_144 : memref<128x13xf32, #tpu.memory_space<hbm>>)
    return
  }
}

</mosaic_0001>

<sc_bundles>
// kernel: kernel.3.cloned.1.call-start
scs
__scs_entry_jumppad:
0x0: {  	(pc) =	sbr.rel $0x88, $3  }
0x1: {  	(tag) =	ssettag $0x0;
	lr =	simm.s32 $0x1  }
0x2: {  	[smem:$0x3F9E] =	sst lr;
	_ =	strace $0xD0000000  }
0x3: {  	_ = 	snop  }
0x4: {  	_ = 	snop  }
0x5: {  	_ = 	snop  }
0x6: {  	_ = 	snop  }
0x7: {  	_ = 	snop  }
__scs_overlays_trampoline_lowered:
0x8: {  	[smem:$0x3FAD] =	sst s0  }
0x9: {  	[smem:$0x3FAE] =	sst s1  }
0xa: {  	[smem:$0x3FAF] =	sst s2  }
0xb: {  	[smem:$0x3FB0] =	sst s3  }
0xc: {  	[smem:$0x3FB1] =	sst s4  }
0xd: {  	[smem:$0x3FB2] =	sst s5  }
0xe: {  	[smem:$0x3FB3] =	sst s6  }
0xf: {  	[smem:$0x3FB4] =	sst s7  }
0x10: {  	[smem:$0x3FB5] =	sst s8  }
0x11: {  	[smem:$0x3FB6] =	sst s9;
	s0 =	simm.s32 @!p0 $0x0  }
0x12: {  	s1 =	sld [smem:$0x3F9C];
	s0 =	simm.s32 @p0 $0x1  }
0x13: {  	[smem:$0x3FB7] =	sst s0;
	s0 =	simm.s32 @!p1 $0x0  }
0x14: {  	s2 =	sld [smem:$0x3F9B];
	s0 =	simm.s32 @p1 $0x1  }
0x15: {  	[smem:$0x3FB8] =	sst s0;
	s0 =	simm.s32 @!p2 $0x0  }
0x16: {  	s3 =	sld [smem:$0x3FDB];
	s0 =	simm.s32 @p2 $0x1  }
0x17: {  	s4 =	simm.s32 $0x1BF5;
	[smem:$0x3FBA] =	sst s0  }
0x18: {  	s0 =	sld [smem:$0x3F9D];
	_ =	swait.ge [sflag:s4], $0x0  }
0x19: {  	s7 =	sld [smem:$0x3F9E]  }
0x1a: {  	s8 =	sadd.s32 $0xFFFFE003, lr  }
0x1b: {  	s9 =	sadd.s32 $0xFFFFFEF7, lr;
	s5 =	simm.s32 $0xFFFFFFFF;
	p2 =	slt.u32 s8, $0xFFFFF086  }
0x1c: {  	p1 =	slt.u32 s9, $0xF7A;
	s5 =	simm.s32 @!p2 $0x0  }
0x1d: {  	s5 =	simm.s32 @p1 $0x1;
	p0 =	seq.s32 s7, s2  }
0x1e: {  	s7 =	smul.u32 @!p0 $0xF7A, s2;
	p2 =	seq.s32 @!p0 s5, $0x0  }
0x1f: {  	s9 =	smul.u32 $0xF7A, s1;
	s8 =	simm.s32 @!p0 $0x1BF5;
	p2 =	por !p2, p0  }
0x20: {  	[sflag:s8] =	ssyncset.s32 @!p0 $0xFFFFF086;
	s6 =	sadd.s32 @!p0 s3, s7;
	s7 =	simm.s32 @!p0 $0x108  }
0x21: {  	s3 =	sadd.s32 s3, s9;
	s6 =	sadd.s32 @!p0 $0x88, s6;
	s7 =	simm.s32 @p2 $0x1082  }
0x22: {  	[simem:s7], [sflag:s8] =	dma.local @!p0 [hbm:s6], $0xF7A  }
0x23: {  	s9 =	sor.u32 $0xD0000000, s2;
	s6 =	simm.s32 $0x108;
	_ =	swait.ge @!p0 [sflag:s8], $0x0  }
0x24: {  	s3 =	sadd.s32 $0x88, s3;
	s6 =	simm.s32 @!p1 $0x1082;
	[sflag:s4] =	ssyncset.s32 $0xFFFFF086  }
0x25: {  	[simem:s6], [sflag:s4] =	dma.local [hbm:s3], $0xF7A  }
0x26: {  	[smem:$0x3F9E] =	sst s1;
	(tag) =	ssettag s2;
	_ =	strace s9  }
0x27: {  	s1 =	sld [smem:$0x3FAE]  }
0x28: {  	s2 =	sld [smem:$0x3FAF]  }
0x29: {  	s4 =	sld [smem:$0x3FB1]  }
0x2a: {  	p0 =	seq.s32 s5, $0x0;
	s5 =	sld [smem:$0x3FB2]  }
0x2b: {  	s6 =	sld [smem:$0x3FB3]  }
0x2c: {  	s7 =	sld [smem:$0x3FB4]  }
0x2d: {  	s3 =	simm.s32 $0x108;
	s8 =	sld [smem:$0x3FB5]  }
0x2e: {  	s3 =	simm.s32 @!p0 $0x1082;
	s9 =	sld [smem:$0x3FB6]  }
0x2f: {  	lr =	sadd.s32 s0, s3;
	s0 =	sld [smem:$0x3FAD]  }
0x30: {  	s3 =	sld [smem:$0x3FB0]  }
0x31: {  	[smem:$0x3FB9] =	sst s10  }
0x32: {  	s10 =	sld [smem:$0x3FB7];
	_ =	sdelay $0x3  }
0x33: {  	p0 =	seq.s32 s10, $0x1;
	s10 =	sld [smem:$0x3FB9];
	_ =	sdelay $0x3  }
0x34: {  	[smem:$0x3FB9] =	sst s10  }
0x35: {  	s10 =	sld [smem:$0x3FB8];
	_ =	sdelay $0x3  }
0x36: {  	p1 =	seq.s32 s10, $0x1;
	s10 =	sld [smem:$0x3FB9];
	_ =	sdelay $0x3  }
0x37: {  	[smem:$0x3FB9] =	sst s10  }
0x38: {  	s10 =	sld [smem:$0x3FBA]  }
0x39: {  	_ = 	snop;
	(pc) =	sbr.ind lr, $3  }
0x3a: {  	_ = 	snop  }
0x3b: {  	_ = 	snop  }
0x3c: {  	p2 =	seq.s32 s10, $0x1;
	s10 =	sld [smem:$0x3FB9]  }
0x3d: {  	_ =	shalt  }
0x3e: {  	_ =	shalt  }
0x3f: {  	_ =	shalt  }
0x40: {  	_ =	shalt  }
0x41: {  	_ =	shalt  }
0x42: {  	_ =	shalt  }
0x43: {  	_ =	shalt  }
0x44: {  	_ =	shalt  }
0x45: {  	_ =	shalt  }
0x46: {  	_ =	shalt  }
0x47: {  	_ =	shalt  }
0x48: {  	_ =	shalt  }
0x49: {  	_ =	shalt  }
0x4a: {  	_ =	shalt  }
0x4b: {  	_ =	shalt  }
0x4c: {  	_ =	shalt  }
0x4d: {  	_ =	shalt  }
0x4e: {  	_ =	shalt  }
0x4f: {  	_ =	shalt  }
0x50: {  	_ =	shalt  }
0x51: {  	_ =	shalt  }
0x52: {  	_ =	shalt  }
0x53: {  	_ =	shalt  }
0x54: {  	_ =	shalt  }
0x55: {  	_ =	shalt  }
0x56: {  	_ =	shalt  }
0x57: {  	_ =	shalt  }
0x58: {  	_ =	shalt  }
0x59: {  	_ =	shalt  }
0x5a: {  	_ =	shalt  }
0x5b: {  	_ =	shalt  }
0x5c: {  	_ =	shalt  }
0x5d: {  	_ =	shalt  }
0x5e: {  	_ =	shalt  }
0x5f: {  	_ =	shalt  }
0x60: {  	_ =	shalt  }
0x61: {  	_ =	shalt  }
0x62: {  	_ =	shalt  }
0x63: {  	_ =	shalt  }
0x64: {  	_ =	shalt  }
0x65: {  	_ =	shalt  }
0x66: {  	_ =	shalt  }
0x67: {  	_ =	shalt  }
0x68: {  	_ =	shalt  }
0x69: {  	_ =	shalt  }
0x6a: {  	_ =	shalt  }
0x6b: {  	_ =	shalt  }
0x6c: {  	_ =	shalt  }
0x6d: {  	_ =	shalt  }
0x6e: {  	_ =	shalt  }
0x6f: {  	_ =	shalt  }
0x70: {  	_ =	shalt  }
0x71: {  	_ =	shalt  }
0x72: {  	_ =	shalt  }
0x73: {  	_ =	shalt  }
0x74: {  	_ =	shalt  }
0x75: {  	_ =	shalt  }
0x76: {  	_ =	shalt  }
0x77: {  	_ =	shalt  }
0x78: {  	_ =	shalt  }
0x79: {  	_ =	shalt  }
0x7a: {  	_ =	shalt  }
0x7b: {  	_ =	shalt  }
0x7c: {  	_ =	shalt  }
0x7d: {  	_ =	shalt  }
0x7e: {  	_ =	shalt  }
0x7f: {  	_ =	shalt  }
0x80: {  	_ =	shalt  }
0x81: {  	_ =	shalt  }
0x82: {  	_ =	shalt  }
0x83: {  	_ =	shalt  }
0x84: {  	_ =	shalt  }
0x85: {  	_ =	shalt  }
0x86: {  	_ =	shalt  }
0x87: {  	_ =	shalt  }
.Lfunc_end0:
.L_simem_size_0:
called_computation_lowered:
.L_overlay_start_0:
0x88: {  	s2 =	sld [smem:$0x3FD9]  }
0x89: {  	s3 =	sld [smem:$0x3FFE];
	_ =	sdelay $0x1  }
0x8a: {  	s1 =	srdreg.scid  }
0x8b: {  	s0 =	sand.u32 $0x1, s1  }
0x8c: {  	s17 =	sshll.u32 s0, $0xA;
	s2 =	sadd.s32 s3, s2  }
0x8d: {  	s2 =	sadd.s32 s2, s17  }
0x8e: {  	[smem:$0x3FC5] =	sst s2  }
0x8f: {  	_ = 	snop  }
0x90: {  	s2 =	sld [smem:$0x3FD0];
	(tm) =	ssettm $0x1  }
0x91: {  	s18 =	sld [smem:$0x3FFB];
	_ =	sdelay $0x3  }
0x92: {  	_ =	strace s18  }
0x93: {  	s3 =	sld [smem:$0x3FFC];
	_ =	sdelay $0x3  }
0x94: {  	_ =	strace s3  }
0x95: {  	s3 =	sld [smem:$0x3FFD];
	_ =	sdelay $0x3  }
0x96: {  	_ =	strace s3  }
0x97: {  	_ =	strace $0x8FFFFFFF  }
0x98: {  	s19 =	sld [smem:$0x3FDB];
	_ =	sdelay $0x1  }
0x99: {  	s4 =	simm.s32 $_scs_section_size  }
0x9a: {  	s5 =	simm.s32 $_size__tile_overlayer_lowered;
	s6 =	simm.s32 $_tile_overlayer_lowered  }
0x9b: {  	s22 =	simm.s32 $0x1BFF;
	s21 =	sshll.u32 s6, $0x1;
	s3 =	sadd.s32 s4, s19  }
0x9c: {  	s7 =	simm.s32 $0x0;
	s20 =	sshll.u32 s5, $0x1;
	s5 =	sadd.s32 s21, s3  }
0x9d: {  	[timem:s7], [sflag:s22] =	dma.local [hbm:s5], s20  }
0x9e: {  	_ =	swait.ge [sflag:s22], s20  }
0x9f: {  	s4 =	ssub.s32 $0x0, s20;
	[sflag:s22] =	ssyncset.done $0x0  }
0xa0: {  	[sflag:s22] =	ssyncadd.s32 s4;
	_ =	sdelay $0x1  }
0xa1: {  	s23 =	simm.s32 $0x1B8B  }
0xa2: {  	_ =	swait.ge [sflag:s23], $0x1  }
0xa3: {  	[sflag:s23] =	ssyncset.done $0x0  }
0xa4: {  	s25 =	simm.s32 $0x1B8E;
	s24 =	sld [smem:$0x3FFE];
	[sflag:s23] =	ssyncadd.s32 $0xFFFFFFFF  }
0xa5: {  	s26 =	simm.s32 $execute0_lowered;
	[smem:$0x3FD2] =	sst s25  }
0xa6: {  	s5 =	sshll.u32 s26, $0x1;
	_ =	strace $0x80000046;
	[dreg:$0x1] =	wrdreg $0xFFFFFFFF  }
0xa7: {  	s28 =	simm.s32 $_size_execute0_lowered;
	s3 =	sadd.s32 s3, s5;
	[dreg:$0x0] =	wrdreg $0x0  }
0xa8: {  	s5 =	sshll.u32 s28, $0x1;
	[dreg:$0x2] =	wrdreg s3  }
0xa9: {  	[dreg:$0x3] =	wrdreg s5  }
0xaa: {  	[dreg:$0x4] =	wrdreg $0xC0  }
0xab: {  	_ =	task [dreg:s7], $0x5FFFF  }
0xac: {  	[dreg:$0x1] =	wrdreg $0xFFFFFFFF  }
0xad: {  	[dreg:$0x0] =	wrdreg $0x60  }
0xae: {  	[dreg:$0x2] =	wrdreg s24  }
0xaf: {  	[dreg:$0x3] =	wrdreg s2  }
0xb0: {  	[dreg:$0x4] =	wrdreg $0x9  }
0xb1: {  	_ =	task.clear_ibuf [dreg:s7], $0x5FFFF;
	_ =	strace $0x90000046  }
0xb2: {  	s29 =	simm.s32 $0x9;
	_ =	strace $0x80000048  }
0xb3: {  	_ =	swait.ge [sflag:s29], $0x1  }
0xb4: {  	[sflag:s29] =	ssyncadd.s32 $0xFFFFFFFF  }
0xb5: {  	_ =	strace $0x90000048  }
0xb6: {  	_ =	sfence  }
0xb7: {  	s30 =	sld [smem:$0x0];
	_ =	sdelay $0x2  }
0xb8: {  	s31 =	sshll.u32 s1, $0xD;
	s1 =	sshrl.u32 s1, $0x2  }
0xb9: {  	s3 =	sand.u32 $0x4000, s31;
	s1 =	sadd.s32 s1, s30  }
0xba: {  	s0 =	sor.u32 s3, s0;
	s1 =	sshll.u32 s1, $0x11  }
0xbb: {  	s0 =	sor.u32 s1, s0  }
0xbc: {  	s0 =	sadd.s32 $0x8F2B, s0  }
0xbd: {  	[sflag:s0] =	ssyncadd.remote.s32 $0x1  }
0xbe: {  	_ =	sfence.sel $0xFFFF  }
0xbf: {  	[dreg:$0x0] =	wrdreg $0xFFFFFFFF;
	(pc) =	sbr.abs _section_cstart, $3  }
0xc0: {  	[dreg:$0x1] =	wrdreg $0xFFFFFFFF  }
0xc1: {  	_ =	task.clear_ibuf [dreg:s7], $0x2FFFF;
	_ =	strace $0x9FFFFFFF  }
0xc2: {  	(tm) =	ssettm $0x7FFFFFFF  }
0xc3: {  	_ =	shalt  }
tec
execute0_lowered:
.L_overlay_start_1:
0x0: {  	(tag) =	ssettag $0x1  }
0x1: {  	s0 =	srdreg.scid  }
0x2: {  	s13 =	stileid.u32;
	s1 =	rddreg [dreg:$0x0]  }
0x3: {  	s4 =	rddreg [dreg:$0x1];
	s28 =	simm.s32 $0x10;
	s29 =	simm.s32 $0x1B0  }
0x4: {  	s30 =	simm.s32 $0x2;
	s0 =	sand.u32 $0x1, s0;
	s2 =	sshll.u32 s13, $0x1  }
0x5: {  	s31 =	simm.s32 $0x1A00;
	s22 =	smul.u32 $0x6C000, s13;
	s5 =	sor.u32 s0, s2  }
0x6: {  	s2 =	simm.s32 $0x0;
	s7 =	ssub.s32 $0x2, s0;
	s0 =	smul.u32 $0x36000, s0  }
0x7: {  	s3 =	smul.u32 $0x3400, s5;
	[smem:$0x7FF] =	sst s2;
	s8 =	sshrl.u32 s7, $0x1  }
0x8: {  	s12 =	sshll.u32 s5, $0x9;
	s15 =	sshll.u32 s5, $0xA;
	s5 =	smul.u32 $0x6C00, s5  }
0x9: {  	_ =	strace $0x80000047;
	s16 =	ssub.s32 s7, s8;
	s17 =	sor.u32 $0x80, s12  }
0xa: {  	s20 =	sor.u32 $0x100, s12;
	s23 =	sor.u32 $0x180, s12;
	s0 =	sadd.s32 s0, s22  }
0xb: {  	s22 =	simm.s32 $0xD00;
	s3 =	sshrl.u32 s3, $0x3;
	s11 =	smul.u32 $0x36, s17  }
0xc: {  	s18 =	sshll.u32 s17, $0x1;
	s21 =	sshll.u32 s20, $0x1;
	s14 =	smul.u32 $0x36, s20  }
0xd: {  	s24 =	sshll.u32 s23, $0x1;
	s17 =	smul.u32 $0x36, s23;
	s16 =	smax.u32 s16, $0x1  }
0xe: {  	s25 =	sshrl.u32 s0, $0x3;
	s26 =	sadd.s32 $0xD800, s0;
	s23 =	simm.s32 $0x1BA00  }
0xf: {  	s6 =	sadd.s32 s3, s1;
	s3 =	sadd.s32 $0x27ACE00, s1;
	s1 =	sadd.s32 $0xA00, s1  }
0x10: {  	s9 =	sadd.s32 $0x8A00, s6;
	s7 =	sadd.s32 s1, s15;
	s19 =	sadd.s32 $0x8BA0, s6  }
0x11: {  	s15 =	sadd.s32 $0x34, s4;
	s10 =	sadd.s32 s1, s21;
	[dreg:$0x3] =	wrdreg s9  }
0x12: {  	s12 =	sadd.s32 $0x8EE0, s6;
	s13 =	sadd.s32 s1, s24;
	[dreg:$0x4] =	wrdreg s7  }
0x13: {  	s21 =	simm.s32 $0x3;
	s24 =	simm.s32 $0xEA00;
	[dreg:$0x5] =	wrdreg s19  }
0x14: {  	s7 =	sadd.s32 s1, s18;
	s8 =	sadd.s32 s5, s15;
	s9 =	sadd.s32 $0x8D40, s6  }
0x15: {  	s11 =	sadd.s32 s11, s15;
	s14 =	sadd.s32 s14, s15;
	s15 =	sadd.s32 s17, s15  }
0x16: {  	s17 =	sadd.s32 s25, s4;
	s5 =	sadd.s32 $0x1B000, s0;
	s1 =	sshrl.u32 s26, $0x3  }
0x17: {  	s0 =	sadd.s32 $0x28800, s0;
	s25 =	simm.s32 $0x1C200;
	s26 =	simm.s32 $0x1  }
0x18: {  	s5 =	sshrl.u32 s5, $0x3;
	s18 =	sadd.s32 s1, s4;
	s0 =	sshrl.u32 s0, $0x3  }
0x19: {  	s1 =	simm.s32 $0x0;
	s19 =	sadd.s32 s5, s4;
	s20 =	sadd.s32 s0, s4  }
.LBB2_1:
0x1a: {  	s0 =	rddreg [dreg:$0x3]  }
0x1b: {  	[tilespmem:s2], [sflag:$0x3] =	stream.linear.gather [hbm4b:s0+s2], $0xD00, $0x38;
	[tilespmem:$0x1CA00] =	vst v63  }
0x1c: {  	_ =	swait.ge [sflag:s21], $0xD00  }
0x1d: {  	[sflag:s21] =	ssyncset.done $0x0  }
0x1e: {  	[sflag:s21] =	ssyncadd.s32 $0xFFFFF300  }
0x1f: {  	[tilespmem:s31], [sflag:$0x1] =	stream.indirect.gather [hbm4b:s3+s22], $0x10, s2, s22, $0xb8;
	[tilespmem:$0x1CA00] =	vst v63  }
0x20: {  	s5 =	rddreg [dreg:$0x4]  }
0x21: {  	[tilespmem:s23], [sflag:$0x3] =	stream.linear.gather [hbm4b:s5+s2], $0x800, $0x38;
	[tilespmem:$0x1CA00] =	vst v63  }
0x22: {  	_ =	swait.ge [sflag:s21], $0x800  }
0x23: {  	[sflag:s21] =	ssyncset.done $0x0  }
0x24: {  	s6 =	rddreg [dreg:$0x5];
	[sflag:s21] =	ssyncadd.s32 $0xFFFFF800  }
0x25: {  	[tilespmem:s22], [sflag:$0x3] =	stream.linear.gather [hbm4b:s6+s2], $0xD00, $0x38;
	[tilespmem:$0x1CA00] =	vst v63  }
0x26: {  	_ =	swait.ge [sflag:s21], $0xD00  }
0x27: {  	[sflag:s21] =	ssyncset.done $0x0  }
0x28: {  	[sflag:s21] =	ssyncadd.s32 $0xFFFFF300  }
0x29: {  	[tilespmem:s24], [sflag:$0x1] =	stream.indirect.gather [hbm4b:s3+s22], $0x10, s22, s22, $0xb8;
	[tilespmem:$0x1CA00] =	vst v63  }
0x2a: {  	_ = 	snop  }
0x2b: {  	[tilespmem:s25], [sflag:$0x3] =	stream.linear.gather [hbm4b:s7+s2], $0x800, $0x38;
	[tilespmem:$0x1CA00] =	vst v63  }
0x2c: {  	_ =	swait.ge [sflag:s21], $0x800  }
0x2d: {  	[sflag:s21] =	ssyncset.done $0x0  }
0x2e: {  	[sflag:s21] =	ssyncadd.s32 $0xFFFFF800  }
0x2f: {  	_ =	swait.ge [sflag:s26], $0xD000  }
0x30: {  	s4 =	simm.s32 $0x2200;
	s0 =	simm.s32 $0x2;
	[sflag:s26] =	ssyncset.done $0x0  }
0x31: {  	s5 =	simm.s32 $0x1A00;
	s6 =	sadd.s32 $0x0, s17;
	[sflag:s26] =	ssyncadd.s32 $0xFFFF3000  }
.LBB2_2:
0x32: {  	[hbm4b:s6+s28] =	stream.strided.scatter [tilespmem:s5], [sflag:$0x2], $0x800, s29, s28, $0x38;
	[tilespmem:$0x1CA00] =	vst v63  }
0x33: {  	s6 =	smov.u32 s0;
	s5 =	smov.u32 s4;
	p0 =	sne.s32 s0, $0x32  }
.Ltmp0:
0x34: {  	s0 =	sadd.s32 $0x2, s0;
	(pc) =	sbr.rel @p0 .LBB2_2-.Ltmp0, $2  }
0x35: {  	_ =	sdelay $0x2  }
0x36: {  	s4 =	sadd.s32 $0x800, s4;
	s6 =	sadd.s32 s6, s17  }
0x37: {  	[hbm4b:s6+s28] =	stream.strided.scatter [tilespmem:s5], [sflag:$0x2], $0x800, s29, s28, $0x38;
	[tilespmem:$0x1CA00] =	vst v63  }
0x38: {  	_ = 	snop  }
0x39: {  	[hbm4b:s8+s28] =	stream.strided.scatter [tilespmem:s23], [sflag:$0x2], $0x800, s29, s28, $0x38;
	[tilespmem:$0x1CA00] =	vst v63  }
0x3a: {  	_ =	swait.ge [sflag:s30], $0x800  }
0x3b: {  	[sflag:s30] =	ssyncset.done $0x0  }
0x3c: {  	[sflag:s30] =	ssyncadd.s32 $0xFFFFF800  }
0x3d: {  	_ =	swait.ge [sflag:s30], $0x800  }
0x3e: {  	[sflag:s30] =	ssyncset.done $0x0  }
0x3f: {  	[sflag:s30] =	ssyncadd.s32 $0xFFFFF800  }
0x40: {  	_ =	swait.ge [sflag:s30], $0x800  }
0x41: {  	[sflag:s30] =	ssyncset.done $0x0  }
0x42: {  	[sflag:s30] =	ssyncadd.s32 $0xFFFFF800  }
0x43: {  	_ =	swait.ge [sflag:s30], $0x800  }
0x44: {  	[sflag:s30] =	ssyncset.done $0x0  }
0x45: {  	[sflag:s30] =	ssyncadd.s32 $0xFFFFF800  }
0x46: {  	_ =	swait.ge [sflag:s30], $0x800  }
0x47: {  	[sflag:s30] =	ssyncset.done $0x0  }
0x48: {  	[sflag:s30] =	ssyncadd.s32 $0xFFFFF800  }
0x49: {  	_ =	swait.ge [sflag:s30], $0x800  }
0x4a: {  	[sflag:s30] =	ssyncset.done $0x0  }
0x4b: {  	[sflag:s30] =	ssyncadd.s32 $0xFFFFF800  }
0x4c: {  	_ =	swait.ge [sflag:s30], $0x800  }
0x4d: {  	[sflag:s30] =	ssyncset.done $0x0  }
0x4e: {  	[sflag:s30] =	ssyncadd.s32 $0xFFFFF800  }
0x4f: {  	_ =	swait.ge [sflag:s30], $0x800  }
0x50: {  	[sflag:s30] =	ssyncset.done $0x0  }
0x51: {  	[sflag:s30] =	ssyncadd.s32 $0xFFFFF800  }
0x52: {  	_ =	swait.ge [sflag:s30], $0x800  }
0x53: {  	[sflag:s30] =	ssyncset.done $0x0  }
0x54: {  	[sflag:s30] =	ssyncadd.s32 $0xFFFFF800  }
0x55: {  	_ =	swait.ge [sflag:s30], $0x800  }
0x56: {  	[sflag:s30] =	ssyncset.done $0x0  }
0x57: {  	[sflag:s30] =	ssyncadd.s32 $0xFFFFF800  }
0x58: {  	_ =	swait.ge [sflag:s30], $0x800  }
0x59: {  	[sflag:s30] =	ssyncset.done $0x0  }
0x5a: {  	[sflag:s30] =	ssyncadd.s32 $0xFFFFF800  }
0x5b: {  	_ =	swait.ge [sflag:s30], $0x800  }
0x5c: {  	[sflag:s30] =	ssyncset.done $0x0  }
0x5d: {  	[sflag:s30] =	ssyncadd.s32 $0xFFFFF800  }
0x5e: {  	_ =	swait.ge [sflag:s30], $0x800  }
0x5f: {  	[sflag:s30] =	ssyncset.done $0x0  }
0x60: {  	[sflag:s30] =	ssyncadd.s32 $0xFFFFF800  }
0x61: {  	_ =	swait.ge [sflag:s30], $0x800  }
0x62: {  	[sflag:s30] =	ssyncset.done $0x0  }
0x63: {  	[sflag:s30] =	ssyncadd.s32 $0xFFFFF800  }
0x64: {  	_ =	swait.ge [sflag:s30], $0x800  }
0x65: {  	[sflag:s30] =	ssyncset.done $0x0  }
0x66: {  	[sflag:s30] =	ssyncadd.s32 $0xFFFFF800  }
0x67: {  	_ =	swait.ge [sflag:s30], $0x800  }
0x68: {  	[sflag:s30] =	ssyncset.done $0x0  }
0x69: {  	[sflag:s30] =	ssyncadd.s32 $0xFFFFF800  }
0x6a: {  	_ =	swait.ge [sflag:s30], $0x800  }
0x6b: {  	[sflag:s30] =	ssyncset.done $0x0  }
0x6c: {  	[sflag:s30] =	ssyncadd.s32 $0xFFFFF800  }
0x6d: {  	_ =	swait.ge [sflag:s30], $0x800  }
0x6e: {  	[sflag:s30] =	ssyncset.done $0x0  }
0x6f: {  	[sflag:s30] =	ssyncadd.s32 $0xFFFFF800  }
0x70: {  	_ =	swait.ge [sflag:s30], $0x800  }
0x71: {  	[sflag:s30] =	ssyncset.done $0x0  }
0x72: {  	[sflag:s30] =	ssyncadd.s32 $0xFFFFF800  }
0x73: {  	_ =	swait.ge [sflag:s30], $0x800  }
0x74: {  	[sflag:s30] =	ssyncset.done $0x0  }
0x75: {  	[sflag:s30] =	ssyncadd.s32 $0xFFFFF800  }
0x76: {  	_ =	swait.ge [sflag:s30], $0x800  }
0x77: {  	[sflag:s30] =	ssyncset.done $0x0  }
0x78: {  	[sflag:s30] =	ssyncadd.s32 $0xFFFFF800  }
0x79: {  	_ =	swait.ge [sflag:s30], $0x800  }
0x7a: {  	[sflag:s30] =	ssyncset.done $0x0  }
0x7b: {  	[sflag:s30] =	ssyncadd.s32 $0xFFFFF800  }
0x7c: {  	_ =	swait.ge [sflag:s30], $0x800  }
0x7d: {  	[sflag:s30] =	ssyncset.done $0x0  }
0x7e: {  	[sflag:s30] =	ssyncadd.s32 $0xFFFFF800  }
0x7f: {  	_ =	swait.ge [sflag:s30], $0x800  }
0x80: {  	[sflag:s30] =	ssyncset.done $0x0  }
0x81: {  	[sflag:s30] =	ssyncadd.s32 $0xFFFFF800  }
0x82: {  	_ =	swait.ge [sflag:s30], $0x800  }
0x83: {  	[sflag:s30] =	ssyncset.done $0x0  }
0x84: {  	[sflag:s30] =	ssyncadd.s32 $0xFFFFF800  }
0x85: {  	_ =	swait.ge [sflag:s30], $0x800  }
0x86: {  	[sflag:s30] =	ssyncset.done $0x0  }
0x87: {  	[sflag:s30] =	ssyncadd.s32 $0xFFFFF800  }
0x88: {  	_ =	swait.ge [sflag:s30], $0x800  }
0x89: {  	[sflag:s30] =	ssyncset.done $0x0  }
0x8a: {  	s0 =	simm.s32 $0x0;
	[sflag:s30] =	ssyncadd.s32 $0xFFFFF800  }
0x8b: {  	[tilespmem:s0], [sflag:$0x3] =	stream.linear.gather [hbm4b:s9+s0], $0xD00, $0x38;
	[tilespmem:$0x1CA00] =	vst v63  }
0x8c: {  	_ =	swait.ge [sflag:s21], $0xD00  }
0x8d: {  	[sflag:s21] =	ssyncset.done $0x0  }
0x8e: {  	[sflag:s21] =	ssyncadd.s32 $0xFFFFF300  }
0x8f: {  	[tilespmem:s31], [sflag:$0x1] =	stream.indirect.gather [hbm4b:s3+s22], $0x10, s0, s22, $0xb8;
	[tilespmem:$0x1CA00] =	vst v63  }
0x90: {  	_ = 	snop  }
0x91: {  	[tilespmem:s23], [sflag:$0x3] =	stream.linear.gather [hbm4b:s10+s0], $0x800, $0x38;
	[tilespmem:$0x1CA00] =	vst v63  }
0x92: {  	_ =	swait.ge [sflag:s21], $0x800  }
0x93: {  	[sflag:s21] =	ssyncset.done $0x0  }
0x94: {  	[sflag:s21] =	ssyncadd.s32 $0xFFFFF800  }
0x95: {  	_ =	swait.ge [sflag:s26], $0xD000  }
0x96: {  	s4 =	simm.s32 $0x2;
	s6 =	sadd.s32 $0x0, s18;
	[sflag:s26] =	ssyncset.done $0x0  }
0x97: {  	s5 =	simm.s32 $0xF200;
	s0 =	simm.s32 $0xEA00;
	[sflag:s26] =	ssyncadd.s32 $0xFFFF3000  }
.LBB2_4:
0x98: {  	[hbm4b:s6+s28] =	stream.strided.scatter [tilespmem:s0], [sflag:$0x2], $0x800, s29, s28, $0x38;
	[tilespmem:$0x1CA00] =	vst v63  }
0x99: {  	s6 =	smov.u32 s4;
	s0 =	smov.u32 s5;
	p0 =	sne.s32 s4, $0x32  }
.Ltmp1:
0x9a: {  	s4 =	sadd.s32 $0x2, s4;
	(pc) =	sbr.rel @p0 .LBB2_4-.Ltmp1, $2  }
0x9b: {  	_ =	sdelay $0x2  }
0x9c: {  	s5 =	sadd.s32 $0x800, s5;
	s6 =	sadd.s32 s6, s18  }
0x9d: {  	[hbm4b:s6+s28] =	stream.strided.scatter [tilespmem:s0], [sflag:$0x2], $0x800, s29, s28, $0x38;
	[tilespmem:$0x1CA00] =	vst v63  }
0x9e: {  	_ = 	snop  }
0x9f: {  	[hbm4b:s11+s28] =	stream.strided.scatter [tilespmem:s25], [sflag:$0x2], $0x800, s29, s28, $0x38;
	[tilespmem:$0x1CA00] =	vst v63  }
0xa0: {  	_ =	swait.ge [sflag:s30], $0x800  }
0xa1: {  	[sflag:s30] =	ssyncset.done $0x0  }
0xa2: {  	[sflag:s30] =	ssyncadd.s32 $0xFFFFF800  }
0xa3: {  	_ =	swait.ge [sflag:s30], $0x800  }
0xa4: {  	[sflag:s30] =	ssyncset.done $0x0  }
0xa5: {  	[sflag:s30] =	ssyncadd.s32 $0xFFFFF800  }
0xa6: {  	_ =	swait.ge [sflag:s30], $0x800  }
0xa7: {  	[sflag:s30] =	ssyncset.done $0x0  }
0xa8: {  	[sflag:s30] =	ssyncadd.s32 $0xFFFFF800  }
0xa9: {  	_ =	swait.ge [sflag:s30], $0x800  }
0xaa: {  	[sflag:s30] =	ssyncset.done $0x0  }
0xab: {  	[sflag:s30] =	ssyncadd.s32 $0xFFFFF800  }
0xac: {  	_ =	swait.ge [sflag:s30], $0x800  }
0xad: {  	[sflag:s30] =	ssyncset.done $0x0  }
0xae: {  	[sflag:s30] =	ssyncadd.s32 $0xFFFFF800  }
0xaf: {  	_ =	swait.ge [sflag:s30], $0x800  }
0xb0: {  	[sflag:s30] =	ssyncset.done $0x0  }
0xb1: {  	[sflag:s30] =	ssyncadd.s32 $0xFFFFF800  }
0xb2: {  	_ =	swait.ge [sflag:s30], $0x800  }
0xb3: {  	[sflag:s30] =	ssyncset.done $0x0  }
0xb4: {  	[sflag:s30] =	ssyncadd.s32 $0xFFFFF800  }
0xb5: {  	_ =	swait.ge [sflag:s30], $0x800  }
0xb6: {  	[sflag:s30] =	ssyncset.done $0x0  }
0xb7: {  	[sflag:s30] =	ssyncadd.s32 $0xFFFFF800  }
0xb8: {  	_ =	swait.ge [sflag:s30], $0x800  }
0xb9: {  	[sflag:s30] =	ssyncset.done $0x0  }
0xba: {  	[sflag:s30] =	ssyncadd.s32 $0xFFFFF800  }
0xbb: {  	_ =	swait.ge [sflag:s30], $0x800  }
0xbc: {  	[sflag:s30] =	ssyncset.done $0x0  }
0xbd: {  	[sflag:s30] =	ssyncadd.s32 $0xFFFFF800  }
0xbe: {  	_ =	swait.ge [sflag:s30], $0x800  }
0xbf: {  	[sflag:s30] =	ssyncset.done $0x0  }
0xc0: {  	[sflag:s30] =	ssyncadd.s32 $0xFFFFF800  }
0xc1: {  	_ =	swait.ge [sflag:s30], $0x800  }
0xc2: {  	[sflag:s30] =	ssyncset.done $0x0  }
0xc3: {  	[sflag:s30] =	ssyncadd.s32 $0xFFFFF800  }
0xc4: {  	_ =	swait.ge [sflag:s30], $0x800  }
0xc5: {  	[sflag:s30] =	ssyncset.done $0x0  }
0xc6: {  	[sflag:s30] =	ssyncadd.s32 $0xFFFFF800  }
0xc7: {  	_ =	swait.ge [sflag:s30], $0x800  }
0xc8: {  	[sflag:s30] =	ssyncset.done $0x0  }
0xc9: {  	[sflag:s30] =	ssyncadd.s32 $0xFFFFF800  }
0xca: {  	_ =	swait.ge [sflag:s30], $0x800  }
0xcb: {  	[sflag:s30] =	ssyncset.done $0x0  }
0xcc: {  	[sflag:s30] =	ssyncadd.s32 $0xFFFFF800  }
0xcd: {  	_ =	swait.ge [sflag:s30], $0x800  }
0xce: {  	[sflag:s30] =	ssyncset.done $0x0  }
0xcf: {  	[sflag:s30] =	ssyncadd.s32 $0xFFFFF800  }
0xd0: {  	_ =	swait.ge [sflag:s30], $0x800  }
0xd1: {  	[sflag:s30] =	ssyncset.done $0x0  }
0xd2: {  	[sflag:s30] =	ssyncadd.s32 $0xFFFFF800  }
0xd3: {  	_ =	swait.ge [sflag:s30], $0x800  }
0xd4: {  	[sflag:s30] =	ssyncset.done $0x0  }
0xd5: {  	[sflag:s30] =	ssyncadd.s32 $0xFFFFF800  }
0xd6: {  	_ =	swait.ge [sflag:s30], $0x800  }
0xd7: {  	[sflag:s30] =	ssyncset.done $0x0  }
0xd8: {  	[sflag:s30] =	ssyncadd.s32 $0xFFFFF800  }
0xd9: {  	_ =	swait.ge [sflag:s30], $0x800  }
0xda: {  	[sflag:s30] =	ssyncset.done $0x0  }
0xdb: {  	[sflag:s30] =	ssyncadd.s32 $0xFFFFF800  }
0xdc: {  	_ =	swait.ge [sflag:s30], $0x800  }
0xdd: {  	[sflag:s30] =	ssyncset.done $0x0  }
0xde: {  	[sflag:s30] =	ssyncadd.s32 $0xFFFFF800  }
0xdf: {  	_ =	swait.ge [sflag:s30], $0x800  }
0xe0: {  	[sflag:s30] =	ssyncset.done $0x0  }
0xe1: {  	[sflag:s30] =	ssyncadd.s32 $0xFFFFF800  }
0xe2: {  	_ =	swait.ge [sflag:s30], $0x800  }
0xe3: {  	[sflag:s30] =	ssyncset.done $0x0  }
0xe4: {  	[sflag:s30] =	ssyncadd.s32 $0xFFFFF800  }
0xe5: {  	_ =	swait.ge [sflag:s30], $0x800  }
0xe6: {  	[sflag:s30] =	ssyncset.done $0x0  }
0xe7: {  	[sflag:s30] =	ssyncadd.s32 $0xFFFFF800  }
0xe8: {  	_ =	swait.ge [sflag:s30], $0x800  }
0xe9: {  	[sflag:s30] =	ssyncset.done $0x0  }
0xea: {  	[sflag:s30] =	ssyncadd.s32 $0xFFFFF800  }
0xeb: {  	_ =	swait.ge [sflag:s30], $0x800  }
0xec: {  	[sflag:s30] =	ssyncset.done $0x0  }
0xed: {  	[sflag:s30] =	ssyncadd.s32 $0xFFFFF800  }
0xee: {  	_ =	swait.ge [sflag:s30], $0x800  }
0xef: {  	[sflag:s30] =	ssyncset.done $0x0  }
0xf0: {  	s6 =	simm.s32 $0x0;
	[sflag:s30] =	ssyncadd.s32 $0xFFFFF800  }
0xf1: {  	[tilespmem:s22], [sflag:$0x3] =	stream.linear.gather [hbm4b:s12+s6], $0xD00, $0x38;
	[tilespmem:$0x1CA00] =	vst v63  }
0xf2: {  	_ =	swait.ge [sflag:s21], $0xD00  }
0xf3: {  	[sflag:s21] =	ssyncset.done $0x0  }
0xf4: {  	[sflag:s21] =	ssyncadd.s32 $0xFFFFF300  }
0xf5: {  	[tilespmem:s24], [sflag:$0x1] =	stream.indirect.gather [hbm4b:s3+s22], $0x10, s22, s22, $0xb8;
	[tilespmem:$0x1CA00] =	vst v63  }
0xf6: {  	_ = 	snop  }
0xf7: {  	[tilespmem:s25], [sflag:$0x3] =	stream.linear.gather [hbm4b:s13+s6], $0x800, $0x38;
	[tilespmem:$0x1CA00] =	vst v63  }
0xf8: {  	_ =	swait.ge [sflag:s21], $0x800  }
0xf9: {  	[sflag:s21] =	ssyncset.done $0x0  }
0xfa: {  	[sflag:s21] =	ssyncadd.s32 $0xFFFFF800  }
0xfb: {  	_ =	swait.ge [sflag:s26], $0xD000  }
0xfc: {  	s0 =	simm.s32 $0x1A00;
	s4 =	simm.s32 $0x2;
	[sflag:s26] =	ssyncset.done $0x0  }
0xfd: {  	s5 =	simm.s32 $0x2200;
	s6 =	sadd.s32 $0x0, s19;
	[sflag:s26] =	ssyncadd.s32 $0xFFFF3000  }
.LBB2_6:
0xfe: {  	[hbm4b:s6+s28] =	stream.strided.scatter [tilespmem:s0], [sflag:$0x2], $0x800, s29, s28, $0x38;
	[tilespmem:$0x1CA00] =	vst v63  }
0xff: {  	s6 =	smov.u32 s4;
	s0 =	smov.u32 s5;
	p0 =	sne.s32 s4, $0x32  }
.Ltmp2:
0x100: {  	s4 =	sadd.s32 $0x2, s4;
	(pc) =	sbr.rel @p0 .LBB2_6-.Ltmp2, $2  }
0x101: {  	_ =	sdelay $0x2  }
0x102: {  	s5 =	sadd.s32 $0x800, s5;
	s6 =	sadd.s32 s6, s19  }
0x103: {  	[hbm4b:s6+s28] =	stream.strided.scatter [tilespmem:s0], [sflag:$0x2], $0x800, s29, s28, $0x38;
	[tilespmem:$0x1CA00] =	vst v63  }
0x104: {  	_ = 	snop  }
0x105: {  	[hbm4b:s14+s28] =	stream.strided.scatter [tilespmem:s23], [sflag:$0x2], $0x800, s29, s28, $0x38;
	[tilespmem:$0x1CA00] =	vst v63  }
0x106: {  	_ =	swait.ge [sflag:s26], $0xD000  }
0x107: {  	s0 =	simm.s32 $0xEA00;
	s4 =	simm.s32 $0x2;
	[sflag:s26] =	ssyncset.done $0x0  }
0x108: {  	s6 =	sadd.s32 $0x0, s20;
	s5 =	simm.s32 $0xF200;
	[sflag:s26] =	ssyncadd.s32 $0xFFFF3000  }
.LBB2_8:
0x109: {  	[hbm4b:s6+s28] =	stream.strided.scatter [tilespmem:s0], [sflag:$0x2], $0x800, s29, s28, $0x38;
	[tilespmem:$0x1CA00] =	vst v63  }
0x10a: {  	s6 =	smov.u32 s4;
	s0 =	smov.u32 s5;
	p0 =	sne.s32 s4, $0x32  }
.Ltmp3:
0x10b: {  	s4 =	sadd.s32 $0x2, s4;
	(pc) =	sbr.rel @p0 .LBB2_8-.Ltmp3, $2  }
0x10c: {  	_ =	sdelay $0x2  }
0x10d: {  	s5 =	sadd.s32 $0x800, s5;
	s6 =	sadd.s32 s6, s20  }
0x10e: {  	[hbm4b:s6+s28] =	stream.strided.scatter [tilespmem:s0], [sflag:$0x2], $0x800, s29, s28, $0x38;
	[tilespmem:$0x1CA00] =	vst v63  }
0x10f: {  	_ = 	snop  }
0x110: {  	[hbm4b:s15+s28] =	stream.strided.scatter [tilespmem:s25], [sflag:$0x2], $0x800, s29, s28, $0x38;
	[tilespmem:$0x1CA00] =	vst v63  }
0x111: {  	_ =	swait.ge [sflag:s30], $0x800  }
0x112: {  	[sflag:s30] =	ssyncset.done $0x0  }
0x113: {  	[sflag:s30] =	ssyncadd.s32 $0xFFFFF800  }
0x114: {  	_ =	swait.ge [sflag:s30], $0x800  }
0x115: {  	[sflag:s30] =	ssyncset.done $0x0  }
0x116: {  	[sflag:s30] =	ssyncadd.s32 $0xFFFFF800  }
0x117: {  	_ =	swait.ge [sflag:s30], $0x800  }
0x118: {  	[sflag:s30] =	ssyncset.done $0x0  }
0x119: {  	[sflag:s30] =	ssyncadd.s32 $0xFFFFF800  }
0x11a: {  	_ =	swait.ge [sflag:s30], $0x800  }
0x11b: {  	[sflag:s30] =	ssyncset.done $0x0  }
0x11c: {  	[sflag:s30] =	ssyncadd.s32 $0xFFFFF800  }
0x11d: {  	_ =	swait.ge [sflag:s30], $0x800  }
0x11e: {  	[sflag:s30] =	ssyncset.done $0x0  }
0x11f: {  	[sflag:s30] =	ssyncadd.s32 $0xFFFFF800  }
0x120: {  	_ =	swait.ge [sflag:s30], $0x800  }
0x121: {  	[sflag:s30] =	ssyncset.done $0x0  }
0x122: {  	[sflag:s30] =	ssyncadd.s32 $0xFFFFF800  }
0x123: {  	_ =	swait.ge [sflag:s30], $0x800  }
0x124: {  	[sflag:s30] =	ssyncset.done $0x0  }
0x125: {  	[sflag:s30] =	ssyncadd.s32 $0xFFFFF800  }
0x126: {  	_ =	swait.ge [sflag:s30], $0x800  }
0x127: {  	[sflag:s30] =	ssyncset.done $0x0  }
0x128: {  	[sflag:s30] =	ssyncadd.s32 $0xFFFFF800  }
0x129: {  	_ =	swait.ge [sflag:s30], $0x800  }
0x12a: {  	[sflag:s30] =	ssyncset.done $0x0  }
0x12b: {  	[sflag:s30] =	ssyncadd.s32 $0xFFFFF800  }
0x12c: {  	_ =	swait.ge [sflag:s30], $0x800  }
0x12d: {  	[sflag:s30] =	ssyncset.done $0x0  }
0x12e: {  	[sflag:s30] =	ssyncadd.s32 $0xFFFFF800  }
0x12f: {  	_ =	swait.ge [sflag:s30], $0x800  }
0x130: {  	[sflag:s30] =	ssyncset.done $0x0  }
0x131: {  	[sflag:s30] =	ssyncadd.s32 $0xFFFFF800  }
0x132: {  	_ =	swait.ge [sflag:s30], $0x800  }
0x133: {  	[sflag:s30] =	ssyncset.done $0x0  }
0x134: {  	[sflag:s30] =	ssyncadd.s32 $0xFFFFF800  }
0x135: {  	_ =	swait.ge [sflag:s30], $0x800  }
0x136: {  	[sflag:s30] =	ssyncset.done $0x0  }
0x137: {  	[sflag:s30] =	ssyncadd.s32 $0xFFFFF800  }
0x138: {  	_ =	swait.ge [sflag:s30], $0x800  }
0x139: {  	[sflag:s30] =	ssyncset.done $0x0  }
0x13a: {  	[sflag:s30] =	ssyncadd.s32 $0xFFFFF800  }
0x13b: {  	_ =	swait.ge [sflag:s30], $0x800  }
0x13c: {  	[sflag:s30] =	ssyncset.done $0x0  }
0x13d: {  	[sflag:s30] =	ssyncadd.s32 $0xFFFFF800  }
0x13e: {  	_ =	swait.ge [sflag:s30], $0x800  }
0x13f: {  	[sflag:s30] =	ssyncset.done $0x0  }
0x140: {  	[sflag:s30] =	ssyncadd.s32 $0xFFFFF800  }
0x141: {  	_ =	swait.ge [sflag:s30], $0x800  }
0x142: {  	[sflag:s30] =	ssyncset.done $0x0  }
0x143: {  	[sflag:s30] =	ssyncadd.s32 $0xFFFFF800  }
0x144: {  	_ =	swait.ge [sflag:s30], $0x800  }
0x145: {  	[sflag:s30] =	ssyncset.done $0x0  }
0x146: {  	[sflag:s30] =	ssyncadd.s32 $0xFFFFF800  }
0x147: {  	_ =	swait.ge [sflag:s30], $0x800  }
0x148: {  	[sflag:s30] =	ssyncset.done $0x0  }
0x149: {  	[sflag:s30] =	ssyncadd.s32 $0xFFFFF800  }
0x14a: {  	_ =	swait.ge [sflag:s30], $0x800  }
0x14b: {  	[sflag:s30] =	ssyncset.done $0x0  }
0x14c: {  	[sflag:s30] =	ssyncadd.s32 $0xFFFFF800  }
0x14d: {  	_ =	swait.ge [sflag:s30], $0x800  }
0x14e: {  	[sflag:s30] =	ssyncset.done $0x0  }
0x14f: {  	[sflag:s30] =	ssyncadd.s32 $0xFFFFF800  }
0x150: {  	_ =	swait.ge [sflag:s30], $0x800  }
0x151: {  	[sflag:s30] =	ssyncset.done $0x0  }
0x152: {  	[sflag:s30] =	ssyncadd.s32 $0xFFFFF800  }
0x153: {  	_ =	swait.ge [sflag:s30], $0x800  }
0x154: {  	[sflag:s30] =	ssyncset.done $0x0  }
0x155: {  	[sflag:s30] =	ssyncadd.s32 $0xFFFFF800  }
0x156: {  	_ =	swait.ge [sflag:s30], $0x800  }
0x157: {  	[sflag:s30] =	ssyncset.done $0x0  }
0x158: {  	[sflag:s30] =	ssyncadd.s32 $0xFFFFF800  }
0x159: {  	_ =	swait.ge [sflag:s30], $0x800  }
0x15a: {  	[sflag:s30] =	ssyncset.done $0x0  }
0x15b: {  	[sflag:s30] =	ssyncadd.s32 $0xFFFFF800  }
0x15c: {  	_ =	swait.ge [sflag:s30], $0x800  }
0x15d: {  	[sflag:s30] =	ssyncset.done $0x0  }
0x15e: {  	[sflag:s30] =	ssyncadd.s32 $0xFFFFF800  }
0x15f: {  	_ =	swait.ge [sflag:s30], $0x800  }
0x160: {  	[sflag:s30] =	ssyncset.done $0x0  }
0x161: {  	[sflag:s30] =	ssyncadd.s32 $0xFFFFF800  }
0x162: {  	_ =	swait.ge [sflag:s30], $0x800  }
0x163: {  	[sflag:s30] =	ssyncset.done $0x0  }
0x164: {  	[sflag:s30] =	ssyncadd.s32 $0xFFFFF800  }
0x165: {  	_ =	swait.ge [sflag:s30], $0x800  }
0x166: {  	[sflag:s30] =	ssyncset.done $0x0  }
0x167: {  	[sflag:s30] =	ssyncadd.s32 $0xFFFFF800  }
0x168: {  	_ =	swait.ge [sflag:s30], $0x800  }
0x169: {  	[sflag:s30] =	ssyncset.done $0x0  }
0x16a: {  	[sflag:s30] =	ssyncadd.s32 $0xFFFFF800  }
0x16b: {  	_ =	swait.ge [sflag:s30], $0x800  }
0x16c: {  	[sflag:s30] =	ssyncset.done $0x0  }
0x16d: {  	[sflag:s30] =	ssyncadd.s32 $0xFFFFF800  }
0x16e: {  	_ =	swait.ge [sflag:s30], $0x800  }
0x16f: {  	[sflag:s30] =	ssyncset.done $0x0  }
0x170: {  	[sflag:s30] =	ssyncadd.s32 $0xFFFFF800  }
0x171: {  	_ =	swait.ge [sflag:s30], $0x800  }
0x172: {  	[sflag:s30] =	ssyncset.done $0x0  }
0x173: {  	[sflag:s30] =	ssyncadd.s32 $0xFFFFF800  }
0x174: {  	_ =	swait.ge [sflag:s30], $0x800  }
0x175: {  	[sflag:s30] =	ssyncset.done $0x0  }
0x176: {  	[sflag:s30] =	ssyncadd.s32 $0xFFFFF800  }
0x177: {  	_ =	swait.ge [sflag:s30], $0x800  }
0x178: {  	[sflag:s30] =	ssyncset.done $0x0  }
0x179: {  	[sflag:s30] =	ssyncadd.s32 $0xFFFFF800  }
0x17a: {  	_ =	swait.ge [sflag:s30], $0x800  }
0x17b: {  	[sflag:s30] =	ssyncset.done $0x0  }
0x17c: {  	[sflag:s30] =	ssyncadd.s32 $0xFFFFF800  }
0x17d: {  	_ =	swait.ge [sflag:s30], $0x800  }
0x17e: {  	[sflag:s30] =	ssyncset.done $0x0  }
0x17f: {  	[sflag:s30] =	ssyncadd.s32 $0xFFFFF800  }
0x180: {  	_ =	swait.ge [sflag:s30], $0x800  }
0x181: {  	[sflag:s30] =	ssyncset.done $0x0  }
0x182: {  	[sflag:s30] =	ssyncadd.s32 $0xFFFFF800  }
0x183: {  	_ =	swait.ge [sflag:s30], $0x800  }
0x184: {  	[sflag:s30] =	ssyncset.done $0x0  }
0x185: {  	[sflag:s30] =	ssyncadd.s32 $0xFFFFF800  }
0x186: {  	_ =	swait.ge [sflag:s30], $0x800  }
0x187: {  	[sflag:s30] =	ssyncset.done $0x0  }
0x188: {  	[sflag:s30] =	ssyncadd.s32 $0xFFFFF800  }
0x189: {  	_ =	swait.ge [sflag:s30], $0x800  }
0x18a: {  	[sflag:s30] =	ssyncset.done $0x0  }
0x18b: {  	[sflag:s30] =	ssyncadd.s32 $0xFFFFF800  }
0x18c: {  	_ =	swait.ge [sflag:s30], $0x800  }
0x18d: {  	[sflag:s30] =	ssyncset.done $0x0  }
0x18e: {  	[sflag:s30] =	ssyncadd.s32 $0xFFFFF800  }
0x18f: {  	_ =	swait.ge [sflag:s30], $0x800  }
0x190: {  	[sflag:s30] =	ssyncset.done $0x0  }
0x191: {  	[sflag:s30] =	ssyncadd.s32 $0xFFFFF800  }
0x192: {  	_ =	swait.ge [sflag:s30], $0x800  }
0x193: {  	[sflag:s30] =	ssyncset.done $0x0  }
0x194: {  	[sflag:s30] =	ssyncadd.s32 $0xFFFFF800  }
0x195: {  	_ =	swait.ge [sflag:s30], $0x800  }
0x196: {  	[sflag:s30] =	ssyncset.done $0x0  }
0x197: {  	[sflag:s30] =	ssyncadd.s32 $0xFFFFF800  }
0x198: {  	_ =	swait.ge [sflag:s30], $0x800  }
0x199: {  	[sflag:s30] =	ssyncset.done $0x0  }
0x19a: {  	[sflag:s30] =	ssyncadd.s32 $0xFFFFF800  }
0x19b: {  	_ =	swait.ge [sflag:s30], $0x800  }
0x19c: {  	[sflag:s30] =	ssyncset.done $0x0  }
0x19d: {  	[sflag:s30] =	ssyncadd.s32 $0xFFFFF800  }
0x19e: {  	_ =	swait.ge [sflag:s30], $0x800  }
0x19f: {  	[sflag:s30] =	ssyncset.done $0x0  }
0x1a0: {  	[sflag:s30] =	ssyncadd.s32 $0xFFFFF800  }
0x1a1: {  	_ =	swait.ge [sflag:s30], $0x800  }
0x1a2: {  	[sflag:s30] =	ssyncset.done $0x0  }
0x1a3: {  	[sflag:s30] =	ssyncadd.s32 $0xFFFFF800  }
0x1a4: {  	_ =	swait.ge [sflag:s30], $0x800  }
0x1a5: {  	[sflag:s30] =	ssyncset.done $0x0  }
0x1a6: {  	[sflag:s30] =	ssyncadd.s32 $0xFFFFF800  }
0x1a7: {  	_ =	swait.ge [sflag:s30], $0x800  }
0x1a8: {  	[sflag:s30] =	ssyncset.done $0x0  }
0x1a9: {  	[sflag:s30] =	ssyncadd.s32 $0xFFFFF800  }
0x1aa: {  	_ =	swait.ge [sflag:s30], $0x800  }
0x1ab: {  	[sflag:s30] =	ssyncset.done $0x0  }
0x1ac: {  	s1 =	sadd.s32 $0x1, s1;
	[sflag:s30] =	ssyncadd.s32 $0xFFFFF800  }
0x1ad: {  	p0 =	sne.s32 s1, s16;
	_ =	swait.ge [sflag:s30], $0x800  }
.Ltmp4:
0x1ae: {  	[sflag:s30] =	ssyncset.done $0x0;
	(pc) =	sbr.rel @p0 .LBB2_1-.Ltmp4, $4  }
0x1af: {  	[sflag:s30] =	ssyncadd.s32 $0xFFFFF800  }
0x1b0: {  	_ =	swait.ge [sflag:s30], $0x800  }
0x1b1: {  	[sflag:s30] =	ssyncset.done $0x0  }
0x1b2: {  	[sflag:s30] =	ssyncadd.s32 $0xFFFFF800  }
0x1b3: {  	_ =	sfence.sel $0x180000  }
0x1b4: {  	[bflag:$0x0] =	sbarrier.arrive $0xFFFF  }
0x1b5: {  	_ =	strace $0x90000047  }
0x1b6: {  	s0 =	stileid.u32;
	[bflag:$0x2] =	sbarrier.arrive $0xFFFF  }
0x1b7: {  	p0 =	sne.s32 s0, $0x0;
	s0 =	rddreg [dreg:$0x2]  }
0x1b8: {  	s0 =	sadd.s32 @!p0 $0x100000, s0  }
0x1b9: {  	[sflag:s0] =	ssyncadd.tile.s32 @!p0 $0x1;
	_ =	shalt  }
.Lfunc_end2:
_tile_overlayer_lowered:
.L_overlay_start_2:
0x1ba: {  	(tag) =	ssettag $0x2  }
0x1bb: {  	s0 =	rddreg [dreg:$0x0];
	s2 =	stileid.u32  }
0x1bc: {  	s1 =	rddreg [dreg:$0x1];
	p0 =	sne.s32 s2, $0x0  }
0x1bd: {  	s3 =	rddreg [dreg:$0x2];
	[bflag:$0x3] =	sbarrier.arrive $0xFFFF;
	s2 =	simm.s32 @!p0 $0x1C03  }
0x1be: {  	[timem:s3], [sflag:s2] =	dma.local @!p0 [hbm:s0], s1  }
0x1bf: {  	s0 =	simm.s32 @!p0 $0x3  }
0x1c0: {  	_ =	swait.ge @!p0 [sflag:s0], s1  }
0x1c1: {  	s1 =	ssub.s32 @!p0 $0x0, s1;
	[sflag:s0] =	ssyncset.done @!p0 $0x0  }
0x1c2: {  	[sflag:s0] =	ssyncadd.s32 @!p0 s1  }
0x1c3: {  	[bflag:$0x3] =	sbarrier.arrive $0xFFFF  }
0x1c4: {  	_ =	shalt  }

</sc_bundles>
